<compile_context>
chip_gen: v7x
topology: tpu7x:2x2x1
jax: 0.10.2.dev20260603
libtpu: 0.0.44.dev20260713+nightly
codegen_flags: <defaults>
</compile_context>

<pallas_src>
import functools
import jax
import jax.numpy as jnp
from jax import lax
from jax.experimental import pallas as pl
from jax.experimental.pallas import tpu as pltpu
from jax.experimental.pallas import tpu_sc as plsc

N = 2048
TOP_K = 64
OBS_RADIUS = 1.0
MAX_FINITE = 0x7F800000

R1B = 128
G1 = N // R1B
R3B = 128
G3 = N // R3B

B = N * TOP_K
NW = 32
BW = B // NW
CH = 128
NCH = BW // CH


def _lane_cumsum_excl(x):
    inc = x
    n = x.shape[-1]
    s = 1
    while s < n:
        z = jnp.zeros(x.shape[:-1] + (s,), x.dtype)
        inc = inc + jnp.concatenate([z, inc[..., :-s]], axis=-1)
        s *= 2
    return inc - x


def _idx_body(states_ref, idx_ref):
    pid = pl.program_id(0)
    row0 = pid * R1B
    s_all = states_ref[...]
    s_blk = states_ref[pl.ds(row0, R1B), :]

    px_a = s_all[:, 0:1]
    py_a = s_all[:, 1:2]
    nrm_a = px_a * px_a + py_a * py_a
    one_a = jnp.ones_like(px_a)
    feat_b = jnp.concatenate([one_a, px_a, py_a, nrm_a], axis=1)
    px_r = s_blk[:, 0:1]
    py_r = s_blk[:, 1:2]
    nrm_r = px_r * px_r + py_r * py_r
    one_r = jnp.ones_like(px_r)
    feat_a = jnp.concatenate([nrm_r, -2.0 * px_r, -2.0 * py_r, one_r], axis=1)
    d2 = lax.dot_general(feat_a, feat_b, (((1,), (1,)), ((), ())),
                         preferred_element_type=jnp.float32)
    d2 = jnp.maximum(d2, 0.0)
    dint = lax.bitcast_convert_type(d2, jnp.int32)

    def bs_body(_, lohi):
        lo, hi = lohi
        mid = lo + ((hi - lo) >> 1)
        cnt = jnp.sum((dint <= mid).astype(jnp.int32), axis=1, keepdims=True)
        ge = cnt >= TOP_K
        return (jnp.where(ge, lo, mid + 1), jnp.where(ge, mid, hi))

    lo0 = jnp.zeros((R1B, 1), jnp.int32)
    hi0 = jnp.full((R1B, 1), MAX_FINITE, jnp.int32)
    _, tsel = lax.fori_loop(0, 31, bs_body, (lo0, hi0))

    m_lt = (dint < tsel).astype(jnp.int32)
    m_eq = (dint == tsel).astype(jnp.int32)
    c_lt = jnp.sum(m_lt, axis=1, keepdims=True)
    p_lt = _lane_cumsum_excl(m_lt)
    p_eq = c_lt + _lane_cumsum_excl(m_eq)
    pos = jnp.where(m_lt == 1, p_lt, p_eq)
    m_all = (m_lt | m_eq) == 1
    jj = lax.broadcasted_iota(jnp.int32, (R1B, N), 1)
    cols = []
    for k in range(TOP_K):
        hit = m_all & (pos == k)
        cols.append(jnp.sum(jnp.where(hit, jj, 0), axis=1, keepdims=True))
    idx_ref[...] = jnp.concatenate(cols, axis=1)


def _make_idx(states):
    return pl.pallas_call(
        _idx_body,
        grid=(G1,),
        in_specs=[pl.BlockSpec((N, 4), lambda i: (0, 0))],
        out_specs=pl.BlockSpec((R1B, TOP_K), lambda i: (i, 0)),
        out_shape=jax.ShapeDtypeStruct((N, TOP_K), jnp.int32),
        compiler_params=pltpu.CompilerParams(
            dimension_semantics=("arbitrary",),
        ),
    )(states)


@functools.cache
def _sc_gather_fn():
    mesh = plsc.VectorSubcoreMesh(core_axis_name="c", subcore_axis_name="s")

    @functools.partial(
        pl.kernel,
        mesh=mesh,
        out_type=jax.ShapeDtypeStruct((B, 128), jnp.float32),
        scratch_types=[
            pltpu.VMEM((BW,), jnp.int32),
            pltpu.VMEM((CH, 128), jnp.float32),
            pltpu.SemaphoreType.DMA,
        ],
    )
    def _sc_gather(table_hbm, idx_hbm, out_hbm, idx_v, rows_v, sem):
        wid = lax.axis_index("s") * 2 + lax.axis_index("c")
        base = wid * BW
        pltpu.sync_copy(idx_hbm.at[pl.ds(base, BW)], idx_v)

        def chunk(ci, carry):
            off = ci * CH
            pltpu.async_copy(
                table_hbm.at[idx_v.at[pl.ds(off, CH)]], rows_v, sem).wait()
            pltpu.sync_copy(rows_v, out_hbm.at[pl.ds(base + off, CH)])
            return carry

        lax.fori_loop(0, NCH, chunk, 0)

    return _sc_gather


def _dense_body(grows_ref, states_ref, goals_ref, Wc1_ref, bc1_ref, Wc2_ref,
                bc2_ref, Wd1_ref, bd1_ref, Wd2_ref, bd2_ref, Wd3_ref, bd3_ref,
                Wd4_ref, bd4_ref, out_ref):
    pid = pl.program_id(0)
    row0 = pid * R3B
    g = grows_ref[...]
    s_blk = states_ref[pl.ds(row0, R3B), :]
    s_rep = lax.broadcast_in_dim(
        s_blk, (R3B, TOP_K, 4), (0, 2)).reshape(R3B * TOP_K, 4)
    diff = s_rep - g[:, 0:4]
    dx = diff[:, 0:1]
    dy = diff[:, 1:2]
    dist = jnp.sqrt(dx * dx + dy * dy)
    az = (jnp.abs(diff[:, 0:1]) + jnp.abs(diff[:, 1:2])
          + jnp.abs(diff[:, 2:3]) + jnp.abs(diff[:, 3:4]))
    eye = (az == 0.0).astype(jnp.float32)
    pre = (jnp.dot(diff, Wc1_ref[0:4, :], preferred_element_type=jnp.float32)
           + eye * Wc1_ref[4:5, :] + bc1_ref[...])
    h1 = jnp.maximum(pre, 0.0)
    h2 = jnp.maximum(
        jnp.dot(h1, Wc2_ref[...], preferred_element_type=jnp.float32)
        + bc2_ref[...], 0.0)
    maskf = (dist < OBS_RADIUS).astype(jnp.float32)
    h2m = h2 * maskf
    x_local = jnp.max(h2m.reshape(R3B, TOP_K, 128), axis=1)

    g_blk = goals_ref[pl.ds(row0, R3B), :]
    e = jnp.concatenate([s_blk[:, 0:2] - g_blk, s_blk[:, 2:4]], axis=1)
    d1 = jnp.maximum(
        jnp.dot(x_local, Wd1_ref[0:128, :], preferred_element_type=jnp.float32)
        + jnp.dot(e, Wd1_ref[128:132, :], preferred_element_type=jnp.float32)
        + bd1_ref[...], 0.0)
    d2_ = jnp.maximum(
        jnp.dot(d1, Wd2_ref[...], preferred_element_type=jnp.float32)
        + bd2_ref[...], 0.0)
    d3 = jnp.maximum(
        jnp.dot(d2_, Wd3_ref[...], preferred_element_type=jnp.float32)
        + bd3_ref[...], 0.0)
    z = jnp.dot(d3, Wd4_ref[...], preferred_element_type=jnp.float32) \
        + bd4_ref[...]
    kk = 2.0 / (1.0 + jnp.exp(-z)) + 0.2
    ax = -(kk[:, 0:1] * e[:, 0:1] + kk[:, 1:2] * e[:, 2:3])
    ay = -(kk[:, 2:3] * e[:, 1:2] + kk[:, 3:4] * e[:, 3:4])
    out_ref[...] = jnp.concatenate([ax, ay], axis=1)


def kernel(states, goals, Wc1, bc1, Wc2, bc2, Wd1, bd1, Wd2, bd2,
           Wd3, bd3, Wd4, bd4):
    idx = _make_idx(states)
    states_pad = jnp.pad(states, ((0, 0), (0, 124)))
    grows = _sc_gather_fn()(states_pad, idx.reshape(B))

    full = lambda shape: pl.BlockSpec(shape, lambda i: tuple(0 for _ in shape))
    in_specs = [
        pl.BlockSpec((R3B * TOP_K, 128), lambda i: (i, 0)),
        full((N, 4)), full((N, 2)),
        full((5, 64)), full((1, 64)), full((64, 128)), full((1, 128)),
        full((132, 64)), full((1, 64)), full((64, 128)), full((1, 128)),
        full((128, 64)), full((1, 64)), full((64, 4)), full((1, 4)),
    ]
    out = pl.pallas_call(
        _dense_body,
        grid=(G3,),
        in_specs=in_specs,
        out_specs=pl.BlockSpec((R3B, 2), lambda i: (i, 0)),
        out_shape=jax.ShapeDtypeStruct((N, 2), jnp.float32),
        compiler_params=pltpu.CompilerParams(
            dimension_semantics=("arbitrary",),
        ),
    )(grows, states, goals,
      Wc1, bc1.reshape(1, 64), Wc2, bc2.reshape(1, 128),
      Wd1, bd1.reshape(1, 64), Wd2, bd2.reshape(1, 128),
      Wd3, bd3.reshape(1, 64), Wd4, bd4.reshape(1, 4))
    return out

# --- scband reference (transcript-rebuilt; emitter-appended) ---
"""Pipeline reference for scband-controller-31937376813310 (READ-ONLY COPY).

The authoritative reference and input builder live on the scoring server;
editing this copy changes nothing except your own understanding.
"""

import jax, jax.numpy as jnp
import numpy as np

N = 2048
TOP_K = 64
OBS_RADIUS = 1.0
IN_DIM = 5  # 4 state-diff dims + 1 identity-indicator channel


def setup_inputs(seed: int = 0) -> dict:
    key = jax.random.key(seed)
    ks = jax.random.split(key, 20)
    inp = {}
    inp['states'] = jax.random.normal(ks[0], (N, 4), dtype=jnp.float32)
    inp['goals'] = jax.random.normal(ks[1], (N, 2), dtype=jnp.float32)
    # centralized (conv1d kernel-size-1 == pointwise linear) net params
    inp['Wc1'] = jax.random.normal(ks[2], (IN_DIM, 64), dtype=jnp.float32) * 0.1
    inp['bc1'] = jnp.zeros((64,), dtype=jnp.float32)
    inp['Wc2'] = jax.random.normal(ks[3], (64, 128), dtype=jnp.float32) * 0.1
    inp['bc2'] = jnp.zeros((128,), dtype=jnp.float32)
    # decoder params: 128 + 4 -> 64 -> 128 -> 64 -> 4
    inp['Wd1'] = jax.random.normal(ks[4], (132, 64), dtype=jnp.float32) * 0.1
    inp['bd1'] = jnp.zeros((64,), dtype=jnp.float32)
    inp['Wd2'] = jax.random.normal(ks[5], (64, 128), dtype=jnp.float32) * 0.1
    inp['bd2'] = jnp.zeros((128,), dtype=jnp.float32)
    inp['Wd3'] = jax.random.normal(ks[6], (128, 64), dtype=jnp.float32) * 0.1
    inp['bd3'] = jnp.zeros((64,), dtype=jnp.float32)
    inp['Wd4'] = jax.random.normal(ks[7], (64, 4), dtype=jnp.float32) * 0.1
    inp['bd4'] = jnp.zeros((4,), dtype=jnp.float32)
    return inp


def reference(states, goals, Wc1, bc1, Wc2, bc2, Wd1, bd1, Wd2, bd2, Wd3, bd3, Wd4, bd4):
    n = states.shape[0]
    # pairwise relative state: x[i, j] = states[i] - states[j]
    x = states[:, None, :] - states[None, :, :]          # [N, N, 4]
    x = jnp.concatenate([x, jnp.eye(n, dtype=x.dtype)[:, :, None]], axis=2)  # [N, N, 5]
    # remove_distant_agents: keep TOP_K nearest neighbors per agent (by planar distance)
    dist_all = jnp.linalg.norm(x[:, :, :2], axis=2)       # [N, N]
    _, idx = jax.lax.top_k(-dist_all, TOP_K)              # [N, TOP_K]
    x = jnp.take_along_axis(x, idx[:, :, None], axis=1)   # [N, TOP_K, 5]
    dist = jnp.linalg.norm(x[:, :, :2], axis=2, keepdims=True)  # [N, TOP_K, 1]
    mask = (dist < OBS_RADIUS).astype(jnp.float32)
    # centralized net (pointwise convs)
    h = jax.nn.relu(x @ Wc1 + bc1)                        # [N, TOP_K, 64]
    h = jax.nn.relu(h @ Wc2 + bc2)                        # [N, TOP_K, 128]
    x_local = jnp.max(h * mask, axis=1)                   # [N, 128]
    x_local = jnp.concatenate([x_local, states[:, :2] - goals, states[:, 2:]], axis=1)  # [N, 132]
    # decoder net
    d = jax.nn.relu(x_local @ Wd1 + bd1)
    d = jax.nn.relu(d @ Wd2 + bd2)
    d = jax.nn.relu(d @ Wd3 + bd3)
    x_out = d @ Wd4 + bd4                                 # [N, 4]
    x_out = 2.0 * jax.nn.sigmoid(x_out) + 0.2
    k1, k2, k3, k4 = jnp.split(x_out, 4, axis=1)          # each [N, 1]
    zeros = jnp.zeros_like(k1)
    gain_x = -jnp.concatenate([k1, zeros, k2, zeros], axis=1)
    gain_y = -jnp.concatenate([zeros, k3, zeros, k4], axis=1)
    state = jnp.concatenate([states[:, :2] - goals, states[:, 2:]], axis=1)  # [N, 4]
    a_x = jnp.sum(state * gain_x, axis=1, keepdims=True)
    a_y = jnp.sum(state * gain_y, axis=1, keepdims=True)
    return jnp.concatenate([a_x, a_y], axis=1)            # [N, 2]

if __name__ == "__main__":
    import jax
    _d = setup_inputs()
    print(jax.jit(kernel)(*tuple(_d.values())))

</pallas_src>

<mosaic_0001>
#map = affine_map<(d0, d1) -> (0, 0)>
#map1 = affine_map<(d0, d1) -> (0)>
module attributes {stable_mosaic.version = 14 : i64} {
  func.func @_sc_gather(%arg0: i32, %arg1: i32, %arg2: memref<2048x128xf32, #tpu.memory_space<hbm>>, %arg3: memref<131072xi32, #tpu.memory_space<hbm>>, %arg4: memref<131072x128xf32, #tpu.memory_space<hbm>>, %arg5: memref<4096xi32, #tpu.memory_space<vmem>>, %arg6: memref<128x128xf32, #tpu.memory_space<vmem>>, %arg7: memref<!tpu.dma_semaphore, #tpu.memory_space<semaphore_mem>>) attributes {dimension_semantics = [#tpu.dimension_semantics<core_parallel>, #tpu.dimension_semantics<subcore_parallel>], iteration_bounds = array<i64: 2, 16>, scalar_prefetch = 0 : i64, scratch_operands = 3 : i64, tpu.core_type = #tpu.core_type<sc_vector_subcore>, window_params = [{transform_indices = #map}, {transform_indices = #map1}, {transform_indices = #map}]} {
    %mul3A = arith.constant 2 : i32
    %mul3A_0 = arith.muli %arg1, %mul3A : i32
    %add3A = arith.addi %mul3A_0, %arg0 : i32
    %mul3A_1 = arith.constant 4096 : i32
    %mul3A_2 = arith.muli %add3A, %mul3A_1 : i32
    "tpu.region"() ({
      %run_scoped3A = tpu.sem_alloc : memref<!tpu.dma_semaphore, #tpu.memory_space<semaphore_mem>>
      %dma_start3A = tpu.memref_slice %arg3[%mul3A_2] : memref<131072xi32, #tpu.memory_space<hbm>> -> memref<4096xi32, #tpu.memory_space<hbm>>
      %dma_start3A_8 = tpu.memref_slice %arg3[%mul3A_2] : memref<131072xi32, #tpu.memory_space<hbm>> -> memref<4096xi32, #tpu.memory_space<hbm>>
      tpu.enqueue_dma source(%dma_start3A_8 : memref<4096xi32, #tpu.memory_space<hbm>>) target(%arg5 : memref<4096xi32, #tpu.memory_space<vmem>>) target_semaphore(%run_scoped3A : memref<!tpu.dma_semaphore, #tpu.memory_space<semaphore_mem>>)
      %dma_wait3A = tpu.memref_slice %arg3[%mul3A_2] : memref<131072xi32, #tpu.memory_space<hbm>> -> memref<4096xi32, #tpu.memory_space<hbm>>
      %dma_wait3A_9 = tpu.memref_slice %arg3[%mul3A_2] : memref<131072xi32, #tpu.memory_space<hbm>> -> memref<4096xi32, #tpu.memory_space<hbm>>
      tpu.wait_dma2 semaphore(%run_scoped3A : memref<!tpu.dma_semaphore, #tpu.memory_space<semaphore_mem>>) src(%dma_wait3A_9 : memref<4096xi32, #tpu.memory_space<hbm>>) dst(%arg5 : memref<4096xi32, #tpu.memory_space<vmem>>)
      tpu.yield
    }) : () -> ()
    %scan3A = arith.constant 0 : i32
    %scan3A_3 = arith.constant 0 : i32
    %scan3A_4 = arith.constant 32 : i32
    %scan3A_5 = arith.addi %scan3A_3, %scan3A_4 : i32
    %scan3A_6 = arith.constant 1 : i32
    scf.for %scan3A_8 = %scan3A_3 to %scan3A_5 step %scan3A_6  : i32 {
      %mul3A_9 = arith.constant 128 : i32
      %mul3A_10 = arith.muli %scan3A_8, %mul3A_9 : i32
      %dma_start3A = tpu.memref_slice %arg5[%mul3A_10] : memref<4096xi32, #tpu.memory_space<vmem>> -> memref<128xi32, #tpu.memory_space<vmem>>
      %dma_start3A_11 = arith.constant 0 : i32
      %dma_start3A_12 = arith.constant 0 : i32
      %dma_start3A_13 = tpu.memref_slice %arg2[%dma_start3A_11, %dma_start3A_12] : memref<2048x128xf32, #tpu.memory_space<hbm>> -> memref<2048x128xf32, #tpu.memory_space<hbm>>
      tpu.enqueue_indirect_dma source(%dma_start3A_13 : memref<2048x128xf32, #tpu.memory_space<hbm>>) target(%arg6 : memref<128x128xf32, #tpu.memory_space<vmem>>) offsets(%dma_start3A : memref<128xi32, #tpu.memory_space<vmem>>) semaphore(%arg7 : memref<!tpu.dma_semaphore, #tpu.memory_space<semaphore_mem>>)
      %dma_wait3A = tpu.memref_slice %arg5[%mul3A_10] : memref<4096xi32, #tpu.memory_space<vmem>> -> memref<128xi32, #tpu.memory_space<vmem>>
      %dma_wait3A_14 = arith.constant 0 : i32
      %dma_wait3A_15 = arith.constant 0 : i32
      %dma_wait3A_16 = tpu.memref_slice %arg2[%dma_wait3A_14, %dma_wait3A_15] : memref<2048x128xf32, #tpu.memory_space<hbm>> -> memref<2048x128xf32, #tpu.memory_space<hbm>>
      tpu.wait_indirect_dma semaphore(%arg7 : memref<!tpu.dma_semaphore, #tpu.memory_space<semaphore_mem>>) src(%dma_wait3A_16 : memref<2048x128xf32, #tpu.memory_space<hbm>>) dst(%arg6 : memref<128x128xf32, #tpu.memory_space<vmem>>)
      %add3A_17 = arith.addi %mul3A_2, %mul3A_10 : i32
      "tpu.region"() ({
        %run_scoped3A = tpu.sem_alloc : memref<!tpu.dma_semaphore, #tpu.memory_space<semaphore_mem>>
        %dma_start3A_18 = arith.constant 0 : i32
        %dma_start3A_19 = tpu.memref_slice %arg4[%add3A_17, %dma_start3A_18] : memref<131072x128xf32, #tpu.memory_space<hbm>> -> memref<128x128xf32, #tpu.memory_space<hbm>>
        %dma_start3A_20 = arith.constant 0 : i32
        %dma_start3A_21 = tpu.memref_slice %arg4[%add3A_17, %dma_start3A_20] : memref<131072x128xf32, #tpu.memory_space<hbm>> -> memref<128x128xf32, #tpu.memory_space<hbm>>
        tpu.enqueue_dma source(%arg6 : memref<128x128xf32, #tpu.memory_space<vmem>>) target(%dma_start3A_21 : memref<128x128xf32, #tpu.memory_space<hbm>>) target_semaphore(%run_scoped3A : memref<!tpu.dma_semaphore, #tpu.memory_space<semaphore_mem>>)
        %dma_wait3A_22 = arith.constant 0 : i32
        %dma_wait3A_23 = tpu.memref_slice %arg4[%add3A_17, %dma_wait3A_22] : memref<131072x128xf32, #tpu.memory_space<hbm>> -> memref<128x128xf32, #tpu.memory_space<hbm>>
        %dma_wait3A_24 = arith.constant 0 : i32
        %dma_wait3A_25 = tpu.memref_slice %arg4[%add3A_17, %dma_wait3A_24] : memref<131072x128xf32, #tpu.memory_space<hbm>> -> memref<128x128xf32, #tpu.memory_space<hbm>>
        tpu.wait_dma2 semaphore(%run_scoped3A : memref<!tpu.dma_semaphore, #tpu.memory_space<semaphore_mem>>) src(%arg6 : memref<128x128xf32, #tpu.memory_space<vmem>>) dst(%dma_wait3A_25 : memref<128x128xf32, #tpu.memory_space<hbm>>)
        tpu.yield
      }) : () -> ()
    }
    %scan3A_7 = arith.constant 32 : i32
    return
  }
}

module attributes {stable_mosaic.version = 14 : i64} {
  func.func @_idx_body(%arg0: i32, %arg1: memref<2048x4xf32, #tpu.memory_space<vmem>>, %arg2: memref<128x64xi32, #tpu.memory_space<vmem>>) attributes {dimension_semantics = [#tpu.dimension_semantics<arbitrary>], iteration_bounds = array<i64: 16>, scalar_prefetch = 0 : i64, scratch_operands = 0 : i64, tpu.core_type = #tpu.core_type<tc>, window_params = [{pipeline_mode = #tpu.pipeline_mode<synchronous>, transform_indices = @transform_0, window_bounds = array<i64: 2048, 4>}, {transform_indices = @transform_1, window_bounds = array<i64: 128, 64>}]} {
    %mul3A = arith.constant 128 : i32
    %mul3A_0 = arith.muli %arg0, %mul3A : i32
    %get3A = arith.constant 0 : index
    %get3A_1 = arith.constant 0 : index
    %get3A_2 = vector.load %arg1[%get3A, %get3A_1] : memref<2048x4xf32, #tpu.memory_space<vmem>>, vector<2048x4xf32>
    %get3A_3 = arith.index_cast %mul3A_0 : i32 to index
    %get3A_4 = arith.constant 0 : index
    %get3A_5 = vector.load %arg1[%get3A_3, %get3A_4] : memref<2048x4xf32, #tpu.memory_space<vmem>>, vector<128x4xf32>
    %slice3A = vector.extract_strided_slice %get3A_2 {offsets = [0, 0], sizes = [2048, 1], strides = [1, 1]} : vector<2048x4xf32> to vector<2048x1xf32>
    %slice3A_6 = vector.extract_strided_slice %get3A_2 {offsets = [0, 1], sizes = [2048, 1], strides = [1, 1]} : vector<2048x4xf32> to vector<2048x1xf32>
    %mul3A_7 = arith.mulf %slice3A, %slice3A : vector<2048x1xf32>
    %mul3A_8 = arith.mulf %slice3A_6, %slice3A_6 : vector<2048x1xf32>
    %add3A = arith.addf %mul3A_7, %mul3A_8 : vector<2048x1xf32>
    %broadcast_in_dim3A = arith.constant 1.000000e+00 : f32
    %broadcast_in_dim3A_9 = vector.broadcast %broadcast_in_dim3A : f32 to vector<2048x1xf32>
    %concatenate3A = tpu.concatenate %broadcast_in_dim3A_9, %slice3A, %slice3A_6, %add3A in 1 : vector<2048x1xf32>, vector<2048x1xf32>, vector<2048x1xf32>, vector<2048x1xf32> -> vector<2048x4xf32>
    %slice3A_10 = vector.extract_strided_slice %get3A_5 {offsets = [0, 0], sizes = [128, 1], strides = [1, 1]} : vector<128x4xf32> to vector<128x1xf32>
    %slice3A_11 = vector.extract_strided_slice %get3A_5 {offsets = [0, 1], sizes = [128, 1], strides = [1, 1]} : vector<128x4xf32> to vector<128x1xf32>
    %mul3A_12 = arith.mulf %slice3A_10, %slice3A_10 : vector<128x1xf32>
    %mul3A_13 = arith.mulf %slice3A_11, %slice3A_11 : vector<128x1xf32>
    %add3A_14 = arith.addf %mul3A_12, %mul3A_13 : vector<128x1xf32>
    %broadcast_in_dim3A_15 = arith.constant 1.000000e+00 : f32
    %broadcast_in_dim3A_16 = vector.broadcast %broadcast_in_dim3A_15 : f32 to vector<128x1xf32>
    %mul3A_17 = arith.constant -2.000000e+00 : f32
    %mul3A_18 = vector.broadcast %mul3A_17 : f32 to vector<128x1xf32>
    %mul3A_19 = arith.mulf %mul3A_18, %slice3A_10 : vector<128x1xf32>
    %mul3A_20 = arith.constant -2.000000e+00 : f32
    %mul3A_21 = vector.broadcast %mul3A_20 : f32 to vector<128x1xf32>
    %mul3A_22 = arith.mulf %mul3A_21, %slice3A_11 : vector<128x1xf32>
    %concatenate3A_23 = tpu.concatenate %add3A_14, %mul3A_19, %mul3A_22, %broadcast_in_dim3A_16 in 1 : vector<128x1xf32>, vector<128x1xf32>, vector<128x1xf32>, vector<128x1xf32> -> vector<128x4xf32>
    %dot_general3A = arith.constant dense<0.000000e+00> : vector<128x2048xf32>
    %dot_general3A_24 = tpu.matmul %concatenate3A_23, %concatenate3A, %dot_general3A {dimension_numbers = #tpu.dot_dimension_numbers<[1], [1], [0], [0], [0, 0, 1, 0], [], []>, transpose_lhs_hint = false} : vector<128x4xf32>, vector<2048x4xf32>, vector<128x2048xf32> -> vector<128x2048xf32>
    %max3A = arith.constant 0.000000e+00 : f32
    %max3A_25 = vector.broadcast %max3A : f32 to vector<128x2048xf32>
    %max3A_26 = arith.maximumf %dot_general3A_24, %max3A_25 : vector<128x2048xf32>
    %bitcast_convert_type3A = tpu.bitcast %max3A_26 : vector<128x2048xf32> -> vector<128x2048xi32>
    %broadcast_in_dim3A_27 = arith.constant 0 : i32
    %broadcast_in_dim3A_28 = vector.broadcast %broadcast_in_dim3A_27 : i32 to vector<128x1xi32>
    %broadcast_in_dim3A_29 = arith.constant 2139095040 : i32
    %broadcast_in_dim3A_30 = vector.broadcast %broadcast_in_dim3A_29 : i32 to vector<128x1xi32>
    %scan3A = arith.constant 0 : i32
    %scan3A_31 = arith.constant 31 : i32
    %scan3A_32 = arith.addi %scan3A, %scan3A_31 : i32
    %scan3A_33 = arith.constant 1 : i32
    %scan3A_34:2 = scf.for %scan3A_800 = %scan3A to %scan3A_32 step %scan3A_33 iter_args(%scan3A_801 = %broadcast_in_dim3A_28, %scan3A_802 = %broadcast_in_dim3A_30) -> (vector<128x1xi32>, vector<128x1xi32>)  : i32 {
      %sub3A_803 = arith.subi %scan3A_802, %scan3A_801 : vector<128x1xi32>
      %shift_right_arithmetic3A = arith.constant 1 : i32
      %shift_right_arithmetic3A_804 = vector.broadcast %shift_right_arithmetic3A : i32 to vector<128x1xi32>
      %shift_right_arithmetic3A_805 = arith.shrsi %sub3A_803, %shift_right_arithmetic3A_804 : vector<128x1xi32>
      %add3A_806 = arith.addi %scan3A_801, %shift_right_arithmetic3A_805 : vector<128x1xi32>
      %le3A = vector.broadcast %add3A_806 : vector<128x1xi32> to vector<128x2048xi32>
      %le3A_807 = arith.cmpi sle, %bitcast_convert_type3A, %le3A : vector<128x2048xi32>
      %convert_element_type3A_808 = arith.extui %le3A_807 : vector<128x2048xi1> to vector<128x2048xi32>
      %reduce_sum3A_809 = arith.constant dense<0> : vector<128xi32>
      %reduce_sum3A_810 = vector.multi_reduction <add>, %convert_element_type3A_808, %reduce_sum3A_809 [1] : vector<128x2048xi32> to vector<128xi32>
      %broadcast_in_dim3A_811 = vector.shape_cast %reduce_sum3A_810 : vector<128xi32> to vector<128x1xi32>
      %ge3A = arith.constant 64 : i32
      %ge3A_812 = vector.broadcast %ge3A : i32 to vector<128x1xi32>
      %ge3A_813 = arith.cmpi sge, %broadcast_in_dim3A_811, %ge3A_812 : vector<128x1xi32>
      %add3A_814 = arith.constant 1 : i32
      %add3A_815 = vector.broadcast %add3A_814 : i32 to vector<128x1xi32>
      %add3A_816 = arith.addi %add3A_806, %add3A_815 : vector<128x1xi32>
      %select_n3A_817 = arith.select %ge3A_813, %scan3A_801, %add3A_816 : vector<128x1xi1>, vector<128x1xi32>
      %select_n3A_818 = arith.select %ge3A_813, %add3A_806, %scan3A_802 : vector<128x1xi1>, vector<128x1xi32>
      scf.yield %select_n3A_817, %select_n3A_818 : vector<128x1xi32>, vector<128x1xi32>
    }
    %lt3A = vector.broadcast %scan3A_34#1 : vector<128x1xi32> to vector<128x2048xi32>
    %lt3A_35 = arith.cmpi slt, %bitcast_convert_type3A, %lt3A : vector<128x2048xi32>
    %convert_element_type3A = arith.extui %lt3A_35 : vector<128x2048xi1> to vector<128x2048xi32>
    %eq3A = vector.broadcast %scan3A_34#1 : vector<128x1xi32> to vector<128x2048xi32>
    %eq3A_36 = arith.cmpi eq, %bitcast_convert_type3A, %eq3A : vector<128x2048xi32>
    %convert_element_type3A_37 = arith.extui %eq3A_36 : vector<128x2048xi1> to vector<128x2048xi32>
    %reduce_sum3A = arith.constant dense<0> : vector<128xi32>
    %reduce_sum3A_38 = vector.multi_reduction <add>, %convert_element_type3A, %reduce_sum3A [1] : vector<128x2048xi32> to vector<128xi32>
    %broadcast_in_dim3A_39 = vector.shape_cast %reduce_sum3A_38 : vector<128xi32> to vector<128x1xi32>
    %broadcast_in_dim3A_40 = arith.constant 0 : i32
    %broadcast_in_dim3A_41 = vector.broadcast %broadcast_in_dim3A_40 : i32 to vector<128x1xi32>
    %slice3A_42 = vector.extract_strided_slice %convert_element_type3A {offsets = [0, 0], sizes = [128, 2047], strides = [1, 1]} : vector<128x2048xi32> to vector<128x2047xi32>
    %concatenate3A_43 = tpu.concatenate %broadcast_in_dim3A_41, %slice3A_42 in 1 : vector<128x1xi32>, vector<128x2047xi32> -> vector<128x2048xi32>
    %add3A_44 = arith.addi %convert_element_type3A, %concatenate3A_43 : vector<128x2048xi32>
    %broadcast_in_dim3A_45 = arith.constant 0 : i32
    %broadcast_in_dim3A_46 = vector.broadcast %broadcast_in_dim3A_45 : i32 to vector<128x2xi32>
    %slice3A_47 = vector.extract_strided_slice %add3A_44 {offsets = [0, 0], sizes = [128, 2046], strides = [1, 1]} : vector<128x2048xi32> to vector<128x2046xi32>
    %concatenate3A_48 = tpu.concatenate %broadcast_in_dim3A_46, %slice3A_47 in 1 : vector<128x2xi32>, vector<128x2046xi32> -> vector<128x2048xi32>
    %add3A_49 = arith.addi %add3A_44, %concatenate3A_48 : vector<128x2048xi32>
    %broadcast_in_dim3A_50 = arith.constant 0 : i32
    %broadcast_in_dim3A_51 = vector.broadcast %broadcast_in_dim3A_50 : i32 to vector<128x4xi32>
    %slice3A_52 = vector.extract_strided_slice %add3A_49 {offsets = [0, 0], sizes = [128, 2044], strides = [1, 1]} : vector<128x2048xi32> to vector<128x2044xi32>
    %concatenate3A_53 = tpu.concatenate %broadcast_in_dim3A_51, %slice3A_52 in 1 : vector<128x4xi32>, vector<128x2044xi32> -> vector<128x2048xi32>
    %add3A_54 = arith.addi %add3A_49, %concatenate3A_53 : vector<128x2048xi32>
    %broadcast_in_dim3A_55 = arith.constant 0 : i32
    %broadcast_in_dim3A_56 = vector.broadcast %broadcast_in_dim3A_55 : i32 to vector<128x8xi32>
    %slice3A_57 = vector.extract_strided_slice %add3A_54 {offsets = [0, 0], sizes = [128, 2040], strides = [1, 1]} : vector<128x2048xi32> to vector<128x2040xi32>
    %concatenate3A_58 = tpu.concatenate %broadcast_in_dim3A_56, %slice3A_57 in 1 : vector<128x8xi32>, vector<128x2040xi32> -> vector<128x2048xi32>
    %add3A_59 = arith.addi %add3A_54, %concatenate3A_58 : vector<128x2048xi32>
    %broadcast_in_dim3A_60 = arith.constant 0 : i32
    %broadcast_in_dim3A_61 = vector.broadcast %broadcast_in_dim3A_60 : i32 to vector<128x16xi32>
    %slice3A_62 = vector.extract_strided_slice %add3A_59 {offsets = [0, 0], sizes = [128, 2032], strides = [1, 1]} : vector<128x2048xi32> to vector<128x2032xi32>
    %concatenate3A_63 = tpu.concatenate %broadcast_in_dim3A_61, %slice3A_62 in 1 : vector<128x16xi32>, vector<128x2032xi32> -> vector<128x2048xi32>
    %add3A_64 = arith.addi %add3A_59, %concatenate3A_63 : vector<128x2048xi32>
    %broadcast_in_dim3A_65 = arith.constant 0 : i32
    %broadcast_in_dim3A_66 = vector.broadcast %broadcast_in_dim3A_65 : i32 to vector<128x32xi32>
    %slice3A_67 = vector.extract_strided_slice %add3A_64 {offsets = [0, 0], sizes = [128, 2016], strides = [1, 1]} : vector<128x2048xi32> to vector<128x2016xi32>
    %concatenate3A_68 = tpu.concatenate %broadcast_in_dim3A_66, %slice3A_67 in 1 : vector<128x32xi32>, vector<128x2016xi32> -> vector<128x2048xi32>
    %add3A_69 = arith.addi %add3A_64, %concatenate3A_68 : vector<128x2048xi32>
    %broadcast_in_dim3A_70 = arith.constant 0 : i32
    %broadcast_in_dim3A_71 = vector.broadcast %broadcast_in_dim3A_70 : i32 to vector<128x64xi32>
    %slice3A_72 = vector.extract_strided_slice %add3A_69 {offsets = [0, 0], sizes = [128, 1984], strides = [1, 1]} : vector<128x2048xi32> to vector<128x1984xi32>
    %concatenate3A_73 = tpu.concatenate %broadcast_in_dim3A_71, %slice3A_72 in 1 : vector<128x64xi32>, vector<128x1984xi32> -> vector<128x2048xi32>
    %add3A_74 = arith.addi %add3A_69, %concatenate3A_73 : vector<128x2048xi32>
    %broadcast_in_dim3A_75 = arith.constant 0 : i32
    %broadcast_in_dim3A_76 = vector.broadcast %broadcast_in_dim3A_75 : i32 to vector<128x128xi32>
    %slice3A_77 = vector.extract_strided_slice %add3A_74 {offsets = [0, 0], sizes = [128, 1920], strides = [1, 1]} : vector<128x2048xi32> to vector<128x1920xi32>
    %concatenate3A_78 = tpu.concatenate %broadcast_in_dim3A_76, %slice3A_77 in 1 : vector<128x128xi32>, vector<128x1920xi32> -> vector<128x2048xi32>
    %add3A_79 = arith.addi %add3A_74, %concatenate3A_78 : vector<128x2048xi32>
    %broadcast_in_dim3A_80 = arith.constant 0 : i32
    %broadcast_in_dim3A_81 = vector.broadcast %broadcast_in_dim3A_80 : i32 to vector<128x256xi32>
    %slice3A_82 = vector.extract_strided_slice %add3A_79 {offsets = [0, 0], sizes = [128, 1792], strides = [1, 1]} : vector<128x2048xi32> to vector<128x1792xi32>
    %concatenate3A_83 = tpu.concatenate %broadcast_in_dim3A_81, %slice3A_82 in 1 : vector<128x256xi32>, vector<128x1792xi32> -> vector<128x2048xi32>
    %add3A_84 = arith.addi %add3A_79, %concatenate3A_83 : vector<128x2048xi32>
    %broadcast_in_dim3A_85 = arith.constant 0 : i32
    %broadcast_in_dim3A_86 = vector.broadcast %broadcast_in_dim3A_85 : i32 to vector<128x512xi32>
    %slice3A_87 = vector.extract_strided_slice %add3A_84 {offsets = [0, 0], sizes = [128, 1536], strides = [1, 1]} : vector<128x2048xi32> to vector<128x1536xi32>
    %concatenate3A_88 = tpu.concatenate %broadcast_in_dim3A_86, %slice3A_87 in 1 : vector<128x512xi32>, vector<128x1536xi32> -> vector<128x2048xi32>
    %add3A_89 = arith.addi %add3A_84, %concatenate3A_88 : vector<128x2048xi32>
    %broadcast_in_dim3A_90 = arith.constant 0 : i32
    %broadcast_in_dim3A_91 = vector.broadcast %broadcast_in_dim3A_90 : i32 to vector<128x1024xi32>
    %slice3A_92 = vector.extract_strided_slice %add3A_89 {offsets = [0, 0], sizes = [128, 1024], strides = [1, 1]} : vector<128x2048xi32> to vector<128x1024xi32>
    %concatenate3A_93 = tpu.concatenate %broadcast_in_dim3A_91, %slice3A_92 in 1 : vector<128x1024xi32>, vector<128x1024xi32> -> vector<128x2048xi32>
    %add3A_94 = arith.addi %add3A_89, %concatenate3A_93 : vector<128x2048xi32>
    %sub3A = arith.subi %add3A_94, %convert_element_type3A : vector<128x2048xi32>
    %broadcast_in_dim3A_95 = arith.constant 0 : i32
    %broadcast_in_dim3A_96 = vector.broadcast %broadcast_in_dim3A_95 : i32 to vector<128x1xi32>
    %slice3A_97 = vector.extract_strided_slice %convert_element_type3A_37 {offsets = [0, 0], sizes = [128, 2047], strides = [1, 1]} : vector<128x2048xi32> to vector<128x2047xi32>
    %concatenate3A_98 = tpu.concatenate %broadcast_in_dim3A_96, %slice3A_97 in 1 : vector<128x1xi32>, vector<128x2047xi32> -> vector<128x2048xi32>
    %add3A_99 = arith.addi %convert_element_type3A_37, %concatenate3A_98 : vector<128x2048xi32>
    %broadcast_in_dim3A_100 = arith.constant 0 : i32
    %broadcast_in_dim3A_101 = vector.broadcast %broadcast_in_dim3A_100 : i32 to vector<128x2xi32>
    %slice3A_102 = vector.extract_strided_slice %add3A_99 {offsets = [0, 0], sizes = [128, 2046], strides = [1, 1]} : vector<128x2048xi32> to vector<128x2046xi32>
    %concatenate3A_103 = tpu.concatenate %broadcast_in_dim3A_101, %slice3A_102 in 1 : vector<128x2xi32>, vector<128x2046xi32> -> vector<128x2048xi32>
    %add3A_104 = arith.addi %add3A_99, %concatenate3A_103 : vector<128x2048xi32>
    %broadcast_in_dim3A_105 = arith.constant 0 : i32
    %broadcast_in_dim3A_106 = vector.broadcast %broadcast_in_dim3A_105 : i32 to vector<128x4xi32>
    %slice3A_107 = vector.extract_strided_slice %add3A_104 {offsets = [0, 0], sizes = [128, 2044], strides = [1, 1]} : vector<128x2048xi32> to vector<128x2044xi32>
    %concatenate3A_108 = tpu.concatenate %broadcast_in_dim3A_106, %slice3A_107 in 1 : vector<128x4xi32>, vector<128x2044xi32> -> vector<128x2048xi32>
    %add3A_109 = arith.addi %add3A_104, %concatenate3A_108 : vector<128x2048xi32>
    %broadcast_in_dim3A_110 = arith.constant 0 : i32
    %broadcast_in_dim3A_111 = vector.broadcast %broadcast_in_dim3A_110 : i32 to vector<128x8xi32>
    %slice3A_112 = vector.extract_strided_slice %add3A_109 {offsets = [0, 0], sizes = [128, 2040], strides = [1, 1]} : vector<128x2048xi32> to vector<128x2040xi32>
    %concatenate3A_113 = tpu.concatenate %broadcast_in_dim3A_111, %slice3A_112 in 1 : vector<128x8xi32>, vector<128x2040xi32> -> vector<128x2048xi32>
    %add3A_114 = arith.addi %add3A_109, %concatenate3A_113 : vector<128x2048xi32>
    %broadcast_in_dim3A_115 = arith.constant 0 : i32
    %broadcast_in_dim3A_116 = vector.broadcast %broadcast_in_dim3A_115 : i32 to vector<128x16xi32>
    %slice3A_117 = vector.extract_strided_slice %add3A_114 {offsets = [0, 0], sizes = [128, 2032], strides = [1, 1]} : vector<128x2048xi32> to vector<128x2032xi32>
    %concatenate3A_118 = tpu.concatenate %broadcast_in_dim3A_116, %slice3A_117 in 1 : vector<128x16xi32>, vector<128x2032xi32> -> vector<128x2048xi32>
    %add3A_119 = arith.addi %add3A_114, %concatenate3A_118 : vector<128x2048xi32>
    %broadcast_in_dim3A_120 = arith.constant 0 : i32
    %broadcast_in_dim3A_121 = vector.broadcast %broadcast_in_dim3A_120 : i32 to vector<128x32xi32>
    %slice3A_122 = vector.extract_strided_slice %add3A_119 {offsets = [0, 0], sizes = [128, 2016], strides = [1, 1]} : vector<128x2048xi32> to vector<128x2016xi32>
    %concatenate3A_123 = tpu.concatenate %broadcast_in_dim3A_121, %slice3A_122 in 1 : vector<128x32xi32>, vector<128x2016xi32> -> vector<128x2048xi32>
    %add3A_124 = arith.addi %add3A_119, %concatenate3A_123 : vector<128x2048xi32>
    %broadcast_in_dim3A_125 = arith.constant 0 : i32
    %broadcast_in_dim3A_126 = vector.broadcast %broadcast_in_dim3A_125 : i32 to vector<128x64xi32>
    %slice3A_127 = vector.extract_strided_slice %add3A_124 {offsets = [0, 0], sizes = [128, 1984], strides = [1, 1]} : vector<128x2048xi32> to vector<128x1984xi32>
    %concatenate3A_128 = tpu.concatenate %broadcast_in_dim3A_126, %slice3A_127 in 1 : vector<128x64xi32>, vector<128x1984xi32> -> vector<128x2048xi32>
    %add3A_129 = arith.addi %add3A_124, %concatenate3A_128 : vector<128x2048xi32>
    %broadcast_in_dim3A_130 = arith.constant 0 : i32
    %broadcast_in_dim3A_131 = vector.broadcast %broadcast_in_dim3A_130 : i32 to vector<128x128xi32>
    %slice3A_132 = vector.extract_strided_slice %add3A_129 {offsets = [0, 0], sizes = [128, 1920], strides = [1, 1]} : vector<128x2048xi32> to vector<128x1920xi32>
    %concatenate3A_133 = tpu.concatenate %broadcast_in_dim3A_131, %slice3A_132 in 1 : vector<128x128xi32>, vector<128x1920xi32> -> vector<128x2048xi32>
    %add3A_134 = arith.addi %add3A_129, %concatenate3A_133 : vector<128x2048xi32>
    %broadcast_in_dim3A_135 = arith.constant 0 : i32
    %broadcast_in_dim3A_136 = vector.broadcast %broadcast_in_dim3A_135 : i32 to vector<128x256xi32>
    %slice3A_137 = vector.extract_strided_slice %add3A_134 {offsets = [0, 0], sizes = [128, 1792], strides = [1, 1]} : vector<128x2048xi32> to vector<128x1792xi32>
    %concatenate3A_138 = tpu.concatenate %broadcast_in_dim3A_136, %slice3A_137 in 1 : vector<128x256xi32>, vector<128x1792xi32> -> vector<128x2048xi32>
    %add3A_139 = arith.addi %add3A_134, %concatenate3A_138 : vector<128x2048xi32>
    %broadcast_in_dim3A_140 = arith.constant 0 : i32
    %broadcast_in_dim3A_141 = vector.broadcast %broadcast_in_dim3A_140 : i32 to vector<128x512xi32>
    %slice3A_142 = vector.extract_strided_slice %add3A_139 {offsets = [0, 0], sizes = [128, 1536], strides = [1, 1]} : vector<128x2048xi32> to vector<128x1536xi32>
    %concatenate3A_143 = tpu.concatenate %broadcast_in_dim3A_141, %slice3A_142 in 1 : vector<128x512xi32>, vector<128x1536xi32> -> vector<128x2048xi32>
    %add3A_144 = arith.addi %add3A_139, %concatenate3A_143 : vector<128x2048xi32>
    %broadcast_in_dim3A_145 = arith.constant 0 : i32
    %broadcast_in_dim3A_146 = vector.broadcast %broadcast_in_dim3A_145 : i32 to vector<128x1024xi32>
    %slice3A_147 = vector.extract_strided_slice %add3A_144 {offsets = [0, 0], sizes = [128, 1024], strides = [1, 1]} : vector<128x2048xi32> to vector<128x1024xi32>
    %concatenate3A_148 = tpu.concatenate %broadcast_in_dim3A_146, %slice3A_147 in 1 : vector<128x1024xi32>, vector<128x1024xi32> -> vector<128x2048xi32>
    %add3A_149 = arith.addi %add3A_144, %concatenate3A_148 : vector<128x2048xi32>
    %sub3A_150 = arith.subi %add3A_149, %convert_element_type3A_37 : vector<128x2048xi32>
    %add3A_151 = vector.broadcast %broadcast_in_dim3A_39 : vector<128x1xi32> to vector<128x2048xi32>
    %add3A_152 = arith.addi %add3A_151, %sub3A_150 : vector<128x2048xi32>
    %eq3A_153 = arith.constant 1 : i32
    %eq3A_154 = vector.broadcast %eq3A_153 : i32 to vector<128x2048xi32>
    %eq3A_155 = arith.cmpi eq, %convert_element_type3A, %eq3A_154 : vector<128x2048xi32>
    %select_n3A = arith.select %eq3A_155, %sub3A, %add3A_152 : vector<128x2048xi1>, vector<128x2048xi32>
    %or3A = arith.ori %convert_element_type3A, %convert_element_type3A_37 : vector<128x2048xi32>
    %eq3A_156 = arith.constant 1 : i32
    %eq3A_157 = vector.broadcast %eq3A_156 : i32 to vector<128x2048xi32>
    %eq3A_158 = arith.cmpi eq, %or3A, %eq3A_157 : vector<128x2048xi32>
    %iota3A = tpu.iota {dimensions = array<i32: 1>} : vector<128x2048xi32>
    %eq3A_159 = arith.constant 0 : i32
    %eq3A_160 = vector.broadcast %eq3A_159 : i32 to vector<128x2048xi32>
    %eq3A_161 = arith.cmpi eq, %select_n3A, %eq3A_160 : vector<128x2048xi32>
    %and3A = arith.andi %eq3A_158, %eq3A_161 : vector<128x2048xi1>
    %jit3A = arith.constant 0 : i32
    %broadcast_in_dim3A_162 = vector.broadcast %jit3A : i32 to vector<128x2048xi32>
    %select_n3A_163 = arith.select %and3A, %iota3A, %broadcast_in_dim3A_162 : vector<128x2048xi1>, vector<128x2048xi32>
    %reduce_sum3A_164 = arith.constant dense<0> : vector<128xi32>
    %reduce_sum3A_165 = vector.multi_reduction <add>, %select_n3A_163, %reduce_sum3A_164 [1] : vector<128x2048xi32> to vector<128xi32>
    %broadcast_in_dim3A_166 = vector.shape_cast %reduce_sum3A_165 : vector<128xi32> to vector<128x1xi32>
    %eq3A_167 = arith.constant 1 : i32
    %eq3A_168 = vector.broadcast %eq3A_167 : i32 to vector<128x2048xi32>
    %eq3A_169 = arith.cmpi eq, %select_n3A, %eq3A_168 : vector<128x2048xi32>
    %and3A_170 = arith.andi %eq3A_158, %eq3A_169 : vector<128x2048xi1>
    %jit3A_171 = arith.constant 0 : i32
    %broadcast_in_dim3A_172 = vector.broadcast %jit3A_171 : i32 to vector<128x2048xi32>
    %select_n3A_173 = arith.select %and3A_170, %iota3A, %broadcast_in_dim3A_172 : vector<128x2048xi1>, vector<128x2048xi32>
    %reduce_sum3A_174 = arith.constant dense<0> : vector<128xi32>
    %reduce_sum3A_175 = vector.multi_reduction <add>, %select_n3A_173, %reduce_sum3A_174 [1] : vector<128x2048xi32> to vector<128xi32>
    %broadcast_in_dim3A_176 = vector.shape_cast %reduce_sum3A_175 : vector<128xi32> to vector<128x1xi32>
    %eq3A_177 = arith.constant 2 : i32
    %eq3A_178 = vector.broadcast %eq3A_177 : i32 to vector<128x2048xi32>
    %eq3A_179 = arith.cmpi eq, %select_n3A, %eq3A_178 : vector<128x2048xi32>
    %and3A_180 = arith.andi %eq3A_158, %eq3A_179 : vector<128x2048xi1>
    %jit3A_181 = arith.constant 0 : i32
    %broadcast_in_dim3A_182 = vector.broadcast %jit3A_181 : i32 to vector<128x2048xi32>
    %select_n3A_183 = arith.select %and3A_180, %iota3A, %broadcast_in_dim3A_182 : vector<128x2048xi1>, vector<128x2048xi32>
    %reduce_sum3A_184 = arith.constant dense<0> : vector<128xi32>
    %reduce_sum3A_185 = vector.multi_reduction <add>, %select_n3A_183, %reduce_sum3A_184 [1] : vector<128x2048xi32> to vector<128xi32>
    %broadcast_in_dim3A_186 = vector.shape_cast %reduce_sum3A_185 : vector<128xi32> to vector<128x1xi32>
    %eq3A_187 = arith.constant 3 : i32
    %eq3A_188 = vector.broadcast %eq3A_187 : i32 to vector<128x2048xi32>
    %eq3A_189 = arith.cmpi eq, %select_n3A, %eq3A_188 : vector<128x2048xi32>
    %and3A_190 = arith.andi %eq3A_158, %eq3A_189 : vector<128x2048xi1>
    %jit3A_191 = arith.constant 0 : i32
    %broadcast_in_dim3A_192 = vector.broadcast %jit3A_191 : i32 to vector<128x2048xi32>
    %select_n3A_193 = arith.select %and3A_190, %iota3A, %broadcast_in_dim3A_192 : vector<128x2048xi1>, vector<128x2048xi32>
    %reduce_sum3A_194 = arith.constant dense<0> : vector<128xi32>
    %reduce_sum3A_195 = vector.multi_reduction <add>, %select_n3A_193, %reduce_sum3A_194 [1] : vector<128x2048xi32> to vector<128xi32>
    %broadcast_in_dim3A_196 = vector.shape_cast %reduce_sum3A_195 : vector<128xi32> to vector<128x1xi32>
    %eq3A_197 = arith.constant 4 : i32
    %eq3A_198 = vector.broadcast %eq3A_197 : i32 to vector<128x2048xi32>
    %eq3A_199 = arith.cmpi eq, %select_n3A, %eq3A_198 : vector<128x2048xi32>
    %and3A_200 = arith.andi %eq3A_158, %eq3A_199 : vector<128x2048xi1>
    %jit3A_201 = arith.constant 0 : i32
    %broadcast_in_dim3A_202 = vector.broadcast %jit3A_201 : i32 to vector<128x2048xi32>
    %select_n3A_203 = arith.select %and3A_200, %iota3A, %broadcast_in_dim3A_202 : vector<128x2048xi1>, vector<128x2048xi32>
    %reduce_sum3A_204 = arith.constant dense<0> : vector<128xi32>
    %reduce_sum3A_205 = vector.multi_reduction <add>, %select_n3A_203, %reduce_sum3A_204 [1] : vector<128x2048xi32> to vector<128xi32>
    %broadcast_in_dim3A_206 = vector.shape_cast %reduce_sum3A_205 : vector<128xi32> to vector<128x1xi32>
    %eq3A_207 = arith.constant 5 : i32
    %eq3A_208 = vector.broadcast %eq3A_207 : i32 to vector<128x2048xi32>
    %eq3A_209 = arith.cmpi eq, %select_n3A, %eq3A_208 : vector<128x2048xi32>
    %and3A_210 = arith.andi %eq3A_158, %eq3A_209 : vector<128x2048xi1>
    %jit3A_211 = arith.constant 0 : i32
    %broadcast_in_dim3A_212 = vector.broadcast %jit3A_211 : i32 to vector<128x2048xi32>
    %select_n3A_213 = arith.select %and3A_210, %iota3A, %broadcast_in_dim3A_212 : vector<128x2048xi1>, vector<128x2048xi32>
    %reduce_sum3A_214 = arith.constant dense<0> : vector<128xi32>
    %reduce_sum3A_215 = vector.multi_reduction <add>, %select_n3A_213, %reduce_sum3A_214 [1] : vector<128x2048xi32> to vector<128xi32>
    %broadcast_in_dim3A_216 = vector.shape_cast %reduce_sum3A_215 : vector<128xi32> to vector<128x1xi32>
    %eq3A_217 = arith.constant 6 : i32
    %eq3A_218 = vector.broadcast %eq3A_217 : i32 to vector<128x2048xi32>
    %eq3A_219 = arith.cmpi eq, %select_n3A, %eq3A_218 : vector<128x2048xi32>
    %and3A_220 = arith.andi %eq3A_158, %eq3A_219 : vector<128x2048xi1>
    %jit3A_221 = arith.constant 0 : i32
    %broadcast_in_dim3A_222 = vector.broadcast %jit3A_221 : i32 to vector<128x2048xi32>
    %select_n3A_223 = arith.select %and3A_220, %iota3A, %broadcast_in_dim3A_222 : vector<128x2048xi1>, vector<128x2048xi32>
    %reduce_sum3A_224 = arith.constant dense<0> : vector<128xi32>
    %reduce_sum3A_225 = vector.multi_reduction <add>, %select_n3A_223, %reduce_sum3A_224 [1] : vector<128x2048xi32> to vector<128xi32>
    %broadcast_in_dim3A_226 = vector.shape_cast %reduce_sum3A_225 : vector<128xi32> to vector<128x1xi32>
    %eq3A_227 = arith.constant 7 : i32
    %eq3A_228 = vector.broadcast %eq3A_227 : i32 to vector<128x2048xi32>
    %eq3A_229 = arith.cmpi eq, %select_n3A, %eq3A_228 : vector<128x2048xi32>
    %and3A_230 = arith.andi %eq3A_158, %eq3A_229 : vector<128x2048xi1>
    %jit3A_231 = arith.constant 0 : i32
    %broadcast_in_dim3A_232 = vector.broadcast %jit3A_231 : i32 to vector<128x2048xi32>
    %select_n3A_233 = arith.select %and3A_230, %iota3A, %broadcast_in_dim3A_232 : vector<128x2048xi1>, vector<128x2048xi32>
    %reduce_sum3A_234 = arith.constant dense<0> : vector<128xi32>
    %reduce_sum3A_235 = vector.multi_reduction <add>, %select_n3A_233, %reduce_sum3A_234 [1] : vector<128x2048xi32> to vector<128xi32>
    %broadcast_in_dim3A_236 = vector.shape_cast %reduce_sum3A_235 : vector<128xi32> to vector<128x1xi32>
    %eq3A_237 = arith.constant 8 : i32
    %eq3A_238 = vector.broadcast %eq3A_237 : i32 to vector<128x2048xi32>
    %eq3A_239 = arith.cmpi eq, %select_n3A, %eq3A_238 : vector<128x2048xi32>
    %and3A_240 = arith.andi %eq3A_158, %eq3A_239 : vector<128x2048xi1>
    %jit3A_241 = arith.constant 0 : i32
    %broadcast_in_dim3A_242 = vector.broadcast %jit3A_241 : i32 to vector<128x2048xi32>
    %select_n3A_243 = arith.select %and3A_240, %iota3A, %broadcast_in_dim3A_242 : vector<128x2048xi1>, vector<128x2048xi32>
    %reduce_sum3A_244 = arith.constant dense<0> : vector<128xi32>
    %reduce_sum3A_245 = vector.multi_reduction <add>, %select_n3A_243, %reduce_sum3A_244 [1] : vector<128x2048xi32> to vector<128xi32>
    %broadcast_in_dim3A_246 = vector.shape_cast %reduce_sum3A_245 : vector<128xi32> to vector<128x1xi32>
    %eq3A_247 = arith.constant 9 : i32
    %eq3A_248 = vector.broadcast %eq3A_247 : i32 to vector<128x2048xi32>
    %eq3A_249 = arith.cmpi eq, %select_n3A, %eq3A_248 : vector<128x2048xi32>
    %and3A_250 = arith.andi %eq3A_158, %eq3A_249 : vector<128x2048xi1>
    %jit3A_251 = arith.constant 0 : i32
    %broadcast_in_dim3A_252 = vector.broadcast %jit3A_251 : i32 to vector<128x2048xi32>
    %select_n3A_253 = arith.select %and3A_250, %iota3A, %broadcast_in_dim3A_252 : vector<128x2048xi1>, vector<128x2048xi32>
    %reduce_sum3A_254 = arith.constant dense<0> : vector<128xi32>
    %reduce_sum3A_255 = vector.multi_reduction <add>, %select_n3A_253, %reduce_sum3A_254 [1] : vector<128x2048xi32> to vector<128xi32>
    %broadcast_in_dim3A_256 = vector.shape_cast %reduce_sum3A_255 : vector<128xi32> to vector<128x1xi32>
    %eq3A_257 = arith.constant 10 : i32
    %eq3A_258 = vector.broadcast %eq3A_257 : i32 to vector<128x2048xi32>
    %eq3A_259 = arith.cmpi eq, %select_n3A, %eq3A_258 : vector<128x2048xi32>
    %and3A_260 = arith.andi %eq3A_158, %eq3A_259 : vector<128x2048xi1>
    %jit3A_261 = arith.constant 0 : i32
    %broadcast_in_dim3A_262 = vector.broadcast %jit3A_261 : i32 to vector<128x2048xi32>
    %select_n3A_263 = arith.select %and3A_260, %iota3A, %broadcast_in_dim3A_262 : vector<128x2048xi1>, vector<128x2048xi32>
    %reduce_sum3A_264 = arith.constant dense<0> : vector<128xi32>
    %reduce_sum3A_265 = vector.multi_reduction <add>, %select_n3A_263, %reduce_sum3A_264 [1] : vector<128x2048xi32> to vector<128xi32>
    %broadcast_in_dim3A_266 = vector.shape_cast %reduce_sum3A_265 : vector<128xi32> to vector<128x1xi32>
    %eq3A_267 = arith.constant 11 : i32
    %eq3A_268 = vector.broadcast %eq3A_267 : i32 to vector<128x2048xi32>
    %eq3A_269 = arith.cmpi eq, %select_n3A, %eq3A_268 : vector<128x2048xi32>
    %and3A_270 = arith.andi %eq3A_158, %eq3A_269 : vector<128x2048xi1>
    %jit3A_271 = arith.constant 0 : i32
    %broadcast_in_dim3A_272 = vector.broadcast %jit3A_271 : i32 to vector<128x2048xi32>
    %select_n3A_273 = arith.select %and3A_270, %iota3A, %broadcast_in_dim3A_272 : vector<128x2048xi1>, vector<128x2048xi32>
    %reduce_sum3A_274 = arith.constant dense<0> : vector<128xi32>
    %reduce_sum3A_275 = vector.multi_reduction <add>, %select_n3A_273, %reduce_sum3A_274 [1] : vector<128x2048xi32> to vector<128xi32>
    %broadcast_in_dim3A_276 = vector.shape_cast %reduce_sum3A_275 : vector<128xi32> to vector<128x1xi32>
    %eq3A_277 = arith.constant 12 : i32
    %eq3A_278 = vector.broadcast %eq3A_277 : i32 to vector<128x2048xi32>
    %eq3A_279 = arith.cmpi eq, %select_n3A, %eq3A_278 : vector<128x2048xi32>
    %and3A_280 = arith.andi %eq3A_158, %eq3A_279 : vector<128x2048xi1>
    %jit3A_281 = arith.constant 0 : i32
    %broadcast_in_dim3A_282 = vector.broadcast %jit3A_281 : i32 to vector<128x2048xi32>
    %select_n3A_283 = arith.select %and3A_280, %iota3A, %broadcast_in_dim3A_282 : vector<128x2048xi1>, vector<128x2048xi32>
    %reduce_sum3A_284 = arith.constant dense<0> : vector<128xi32>
    %reduce_sum3A_285 = vector.multi_reduction <add>, %select_n3A_283, %reduce_sum3A_284 [1] : vector<128x2048xi32> to vector<128xi32>
    %broadcast_in_dim3A_286 = vector.shape_cast %reduce_sum3A_285 : vector<128xi32> to vector<128x1xi32>
    %eq3A_287 = arith.constant 13 : i32
    %eq3A_288 = vector.broadcast %eq3A_287 : i32 to vector<128x2048xi32>
    %eq3A_289 = arith.cmpi eq, %select_n3A, %eq3A_288 : vector<128x2048xi32>
    %and3A_290 = arith.andi %eq3A_158, %eq3A_289 : vector<128x2048xi1>
    %jit3A_291 = arith.constant 0 : i32
    %broadcast_in_dim3A_292 = vector.broadcast %jit3A_291 : i32 to vector<128x2048xi32>
    %select_n3A_293 = arith.select %and3A_290, %iota3A, %broadcast_in_dim3A_292 : vector<128x2048xi1>, vector<128x2048xi32>
    %reduce_sum3A_294 = arith.constant dense<0> : vector<128xi32>
    %reduce_sum3A_295 = vector.multi_reduction <add>, %select_n3A_293, %reduce_sum3A_294 [1] : vector<128x2048xi32> to vector<128xi32>
    %broadcast_in_dim3A_296 = vector.shape_cast %reduce_sum3A_295 : vector<128xi32> to vector<128x1xi32>
    %eq3A_297 = arith.constant 14 : i32
    %eq3A_298 = vector.broadcast %eq3A_297 : i32 to vector<128x2048xi32>
    %eq3A_299 = arith.cmpi eq, %select_n3A, %eq3A_298 : vector<128x2048xi32>
    %and3A_300 = arith.andi %eq3A_158, %eq3A_299 : vector<128x2048xi1>
    %jit3A_301 = arith.constant 0 : i32
    %broadcast_in_dim3A_302 = vector.broadcast %jit3A_301 : i32 to vector<128x2048xi32>
    %select_n3A_303 = arith.select %and3A_300, %iota3A, %broadcast_in_dim3A_302 : vector<128x2048xi1>, vector<128x2048xi32>
    %reduce_sum3A_304 = arith.constant dense<0> : vector<128xi32>
    %reduce_sum3A_305 = vector.multi_reduction <add>, %select_n3A_303, %reduce_sum3A_304 [1] : vector<128x2048xi32> to vector<128xi32>
    %broadcast_in_dim3A_306 = vector.shape_cast %reduce_sum3A_305 : vector<128xi32> to vector<128x1xi32>
    %eq3A_307 = arith.constant 15 : i32
    %eq3A_308 = vector.broadcast %eq3A_307 : i32 to vector<128x2048xi32>
    %eq3A_309 = arith.cmpi eq, %select_n3A, %eq3A_308 : vector<128x2048xi32>
    %and3A_310 = arith.andi %eq3A_158, %eq3A_309 : vector<128x2048xi1>
    %jit3A_311 = arith.constant 0 : i32
    %broadcast_in_dim3A_312 = vector.broadcast %jit3A_311 : i32 to vector<128x2048xi32>
    %select_n3A_313 = arith.select %and3A_310, %iota3A, %broadcast_in_dim3A_312 : vector<128x2048xi1>, vector<128x2048xi32>
    %reduce_sum3A_314 = arith.constant dense<0> : vector<128xi32>
    %reduce_sum3A_315 = vector.multi_reduction <add>, %select_n3A_313, %reduce_sum3A_314 [1] : vector<128x2048xi32> to vector<128xi32>
    %broadcast_in_dim3A_316 = vector.shape_cast %reduce_sum3A_315 : vector<128xi32> to vector<128x1xi32>
    %eq3A_317 = arith.constant 16 : i32
    %eq3A_318 = vector.broadcast %eq3A_317 : i32 to vector<128x2048xi32>
    %eq3A_319 = arith.cmpi eq, %select_n3A, %eq3A_318 : vector<128x2048xi32>
    %and3A_320 = arith.andi %eq3A_158, %eq3A_319 : vector<128x2048xi1>
    %jit3A_321 = arith.constant 0 : i32
    %broadcast_in_dim3A_322 = vector.broadcast %jit3A_321 : i32 to vector<128x2048xi32>
    %select_n3A_323 = arith.select %and3A_320, %iota3A, %broadcast_in_dim3A_322 : vector<128x2048xi1>, vector<128x2048xi32>
    %reduce_sum3A_324 = arith.constant dense<0> : vector<128xi32>
    %reduce_sum3A_325 = vector.multi_reduction <add>, %select_n3A_323, %reduce_sum3A_324 [1] : vector<128x2048xi32> to vector<128xi32>
    %broadcast_in_dim3A_326 = vector.shape_cast %reduce_sum3A_325 : vector<128xi32> to vector<128x1xi32>
    %eq3A_327 = arith.constant 17 : i32
    %eq3A_328 = vector.broadcast %eq3A_327 : i32 to vector<128x2048xi32>
    %eq3A_329 = arith.cmpi eq, %select_n3A, %eq3A_328 : vector<128x2048xi32>
    %and3A_330 = arith.andi %eq3A_158, %eq3A_329 : vector<128x2048xi1>
    %jit3A_331 = arith.constant 0 : i32
    %broadcast_in_dim3A_332 = vector.broadcast %jit3A_331 : i32 to vector<128x2048xi32>
    %select_n3A_333 = arith.select %and3A_330, %iota3A, %broadcast_in_dim3A_332 : vector<128x2048xi1>, vector<128x2048xi32>
    %reduce_sum3A_334 = arith.constant dense<0> : vector<128xi32>
    %reduce_sum3A_335 = vector.multi_reduction <add>, %select_n3A_333, %reduce_sum3A_334 [1] : vector<128x2048xi32> to vector<128xi32>
    %broadcast_in_dim3A_336 = vector.shape_cast %reduce_sum3A_335 : vector<128xi32> to vector<128x1xi32>
    %eq3A_337 = arith.constant 18 : i32
    %eq3A_338 = vector.broadcast %eq3A_337 : i32 to vector<128x2048xi32>
    %eq3A_339 = arith.cmpi eq, %select_n3A, %eq3A_338 : vector<128x2048xi32>
    %and3A_340 = arith.andi %eq3A_158, %eq3A_339 : vector<128x2048xi1>
    %jit3A_341 = arith.constant 0 : i32
    %broadcast_in_dim3A_342 = vector.broadcast %jit3A_341 : i32 to vector<128x2048xi32>
    %select_n3A_343 = arith.select %and3A_340, %iota3A, %broadcast_in_dim3A_342 : vector<128x2048xi1>, vector<128x2048xi32>
    %reduce_sum3A_344 = arith.constant dense<0> : vector<128xi32>
    %reduce_sum3A_345 = vector.multi_reduction <add>, %select_n3A_343, %reduce_sum3A_344 [1] : vector<128x2048xi32> to vector<128xi32>
    %broadcast_in_dim3A_346 = vector.shape_cast %reduce_sum3A_345 : vector<128xi32> to vector<128x1xi32>
    %eq3A_347 = arith.constant 19 : i32
    %eq3A_348 = vector.broadcast %eq3A_347 : i32 to vector<128x2048xi32>
    %eq3A_349 = arith.cmpi eq, %select_n3A, %eq3A_348 : vector<128x2048xi32>
    %and3A_350 = arith.andi %eq3A_158, %eq3A_349 : vector<128x2048xi1>
    %jit3A_351 = arith.constant 0 : i32
    %broadcast_in_dim3A_352 = vector.broadcast %jit3A_351 : i32 to vector<128x2048xi32>
    %select_n3A_353 = arith.select %and3A_350, %iota3A, %broadcast_in_dim3A_352 : vector<128x2048xi1>, vector<128x2048xi32>
    %reduce_sum3A_354 = arith.constant dense<0> : vector<128xi32>
    %reduce_sum3A_355 = vector.multi_reduction <add>, %select_n3A_353, %reduce_sum3A_354 [1] : vector<128x2048xi32> to vector<128xi32>
    %broadcast_in_dim3A_356 = vector.shape_cast %reduce_sum3A_355 : vector<128xi32> to vector<128x1xi32>
    %eq3A_357 = arith.constant 20 : i32
    %eq3A_358 = vector.broadcast %eq3A_357 : i32 to vector<128x2048xi32>
    %eq3A_359 = arith.cmpi eq, %select_n3A, %eq3A_358 : vector<128x2048xi32>
    %and3A_360 = arith.andi %eq3A_158, %eq3A_359 : vector<128x2048xi1>
    %jit3A_361 = arith.constant 0 : i32
    %broadcast_in_dim3A_362 = vector.broadcast %jit3A_361 : i32 to vector<128x2048xi32>
    %select_n3A_363 = arith.select %and3A_360, %iota3A, %broadcast_in_dim3A_362 : vector<128x2048xi1>, vector<128x2048xi32>
    %reduce_sum3A_364 = arith.constant dense<0> : vector<128xi32>
    %reduce_sum3A_365 = vector.multi_reduction <add>, %select_n3A_363, %reduce_sum3A_364 [1] : vector<128x2048xi32> to vector<128xi32>
    %broadcast_in_dim3A_366 = vector.shape_cast %reduce_sum3A_365 : vector<128xi32> to vector<128x1xi32>
    %eq3A_367 = arith.constant 21 : i32
    %eq3A_368 = vector.broadcast %eq3A_367 : i32 to vector<128x2048xi32>
    %eq3A_369 = arith.cmpi eq, %select_n3A, %eq3A_368 : vector<128x2048xi32>
    %and3A_370 = arith.andi %eq3A_158, %eq3A_369 : vector<128x2048xi1>
    %jit3A_371 = arith.constant 0 : i32
    %broadcast_in_dim3A_372 = vector.broadcast %jit3A_371 : i32 to vector<128x2048xi32>
    %select_n3A_373 = arith.select %and3A_370, %iota3A, %broadcast_in_dim3A_372 : vector<128x2048xi1>, vector<128x2048xi32>
    %reduce_sum3A_374 = arith.constant dense<0> : vector<128xi32>
    %reduce_sum3A_375 = vector.multi_reduction <add>, %select_n3A_373, %reduce_sum3A_374 [1] : vector<128x2048xi32> to vector<128xi32>
    %broadcast_in_dim3A_376 = vector.shape_cast %reduce_sum3A_375 : vector<128xi32> to vector<128x1xi32>
    %eq3A_377 = arith.constant 22 : i32
    %eq3A_378 = vector.broadcast %eq3A_377 : i32 to vector<128x2048xi32>
    %eq3A_379 = arith.cmpi eq, %select_n3A, %eq3A_378 : vector<128x2048xi32>
    %and3A_380 = arith.andi %eq3A_158, %eq3A_379 : vector<128x2048xi1>
    %jit3A_381 = arith.constant 0 : i32
    %broadcast_in_dim3A_382 = vector.broadcast %jit3A_381 : i32 to vector<128x2048xi32>
    %select_n3A_383 = arith.select %and3A_380, %iota3A, %broadcast_in_dim3A_382 : vector<128x2048xi1>, vector<128x2048xi32>
    %reduce_sum3A_384 = arith.constant dense<0> : vector<128xi32>
    %reduce_sum3A_385 = vector.multi_reduction <add>, %select_n3A_383, %reduce_sum3A_384 [1] : vector<128x2048xi32> to vector<128xi32>
    %broadcast_in_dim3A_386 = vector.shape_cast %reduce_sum3A_385 : vector<128xi32> to vector<128x1xi32>
    %eq3A_387 = arith.constant 23 : i32
    %eq3A_388 = vector.broadcast %eq3A_387 : i32 to vector<128x2048xi32>
    %eq3A_389 = arith.cmpi eq, %select_n3A, %eq3A_388 : vector<128x2048xi32>
    %and3A_390 = arith.andi %eq3A_158, %eq3A_389 : vector<128x2048xi1>
    %jit3A_391 = arith.constant 0 : i32
    %broadcast_in_dim3A_392 = vector.broadcast %jit3A_391 : i32 to vector<128x2048xi32>
    %select_n3A_393 = arith.select %and3A_390, %iota3A, %broadcast_in_dim3A_392 : vector<128x2048xi1>, vector<128x2048xi32>
    %reduce_sum3A_394 = arith.constant dense<0> : vector<128xi32>
    %reduce_sum3A_395 = vector.multi_reduction <add>, %select_n3A_393, %reduce_sum3A_394 [1] : vector<128x2048xi32> to vector<128xi32>
    %broadcast_in_dim3A_396 = vector.shape_cast %reduce_sum3A_395 : vector<128xi32> to vector<128x1xi32>
    %eq3A_397 = arith.constant 24 : i32
    %eq3A_398 = vector.broadcast %eq3A_397 : i32 to vector<128x2048xi32>
    %eq3A_399 = arith.cmpi eq, %select_n3A, %eq3A_398 : vector<128x2048xi32>
    %and3A_400 = arith.andi %eq3A_158, %eq3A_399 : vector<128x2048xi1>
    %jit3A_401 = arith.constant 0 : i32
    %broadcast_in_dim3A_402 = vector.broadcast %jit3A_401 : i32 to vector<128x2048xi32>
    %select_n3A_403 = arith.select %and3A_400, %iota3A, %broadcast_in_dim3A_402 : vector<128x2048xi1>, vector<128x2048xi32>
    %reduce_sum3A_404 = arith.constant dense<0> : vector<128xi32>
    %reduce_sum3A_405 = vector.multi_reduction <add>, %select_n3A_403, %reduce_sum3A_404 [1] : vector<128x2048xi32> to vector<128xi32>
    %broadcast_in_dim3A_406 = vector.shape_cast %reduce_sum3A_405 : vector<128xi32> to vector<128x1xi32>
    %eq3A_407 = arith.constant 25 : i32
    %eq3A_408 = vector.broadcast %eq3A_407 : i32 to vector<128x2048xi32>
    %eq3A_409 = arith.cmpi eq, %select_n3A, %eq3A_408 : vector<128x2048xi32>
    %and3A_410 = arith.andi %eq3A_158, %eq3A_409 : vector<128x2048xi1>
    %jit3A_411 = arith.constant 0 : i32
    %broadcast_in_dim3A_412 = vector.broadcast %jit3A_411 : i32 to vector<128x2048xi32>
    %select_n3A_413 = arith.select %and3A_410, %iota3A, %broadcast_in_dim3A_412 : vector<128x2048xi1>, vector<128x2048xi32>
    %reduce_sum3A_414 = arith.constant dense<0> : vector<128xi32>
    %reduce_sum3A_415 = vector.multi_reduction <add>, %select_n3A_413, %reduce_sum3A_414 [1] : vector<128x2048xi32> to vector<128xi32>
    %broadcast_in_dim3A_416 = vector.shape_cast %reduce_sum3A_415 : vector<128xi32> to vector<128x1xi32>
    %eq3A_417 = arith.constant 26 : i32
    %eq3A_418 = vector.broadcast %eq3A_417 : i32 to vector<128x2048xi32>
    %eq3A_419 = arith.cmpi eq, %select_n3A, %eq3A_418 : vector<128x2048xi32>
    %and3A_420 = arith.andi %eq3A_158, %eq3A_419 : vector<128x2048xi1>
    %jit3A_421 = arith.constant 0 : i32
    %broadcast_in_dim3A_422 = vector.broadcast %jit3A_421 : i32 to vector<128x2048xi32>
    %select_n3A_423 = arith.select %and3A_420, %iota3A, %broadcast_in_dim3A_422 : vector<128x2048xi1>, vector<128x2048xi32>
    %reduce_sum3A_424 = arith.constant dense<0> : vector<128xi32>
    %reduce_sum3A_425 = vector.multi_reduction <add>, %select_n3A_423, %reduce_sum3A_424 [1] : vector<128x2048xi32> to vector<128xi32>
    %broadcast_in_dim3A_426 = vector.shape_cast %reduce_sum3A_425 : vector<128xi32> to vector<128x1xi32>
    %eq3A_427 = arith.constant 27 : i32
    %eq3A_428 = vector.broadcast %eq3A_427 : i32 to vector<128x2048xi32>
    %eq3A_429 = arith.cmpi eq, %select_n3A, %eq3A_428 : vector<128x2048xi32>
    %and3A_430 = arith.andi %eq3A_158, %eq3A_429 : vector<128x2048xi1>
    %jit3A_431 = arith.constant 0 : i32
    %broadcast_in_dim3A_432 = vector.broadcast %jit3A_431 : i32 to vector<128x2048xi32>
    %select_n3A_433 = arith.select %and3A_430, %iota3A, %broadcast_in_dim3A_432 : vector<128x2048xi1>, vector<128x2048xi32>
    %reduce_sum3A_434 = arith.constant dense<0> : vector<128xi32>
    %reduce_sum3A_435 = vector.multi_reduction <add>, %select_n3A_433, %reduce_sum3A_434 [1] : vector<128x2048xi32> to vector<128xi32>
    %broadcast_in_dim3A_436 = vector.shape_cast %reduce_sum3A_435 : vector<128xi32> to vector<128x1xi32>
    %eq3A_437 = arith.constant 28 : i32
    %eq3A_438 = vector.broadcast %eq3A_437 : i32 to vector<128x2048xi32>
    %eq3A_439 = arith.cmpi eq, %select_n3A, %eq3A_438 : vector<128x2048xi32>
    %and3A_440 = arith.andi %eq3A_158, %eq3A_439 : vector<128x2048xi1>
    %jit3A_441 = arith.constant 0 : i32
    %broadcast_in_dim3A_442 = vector.broadcast %jit3A_441 : i32 to vector<128x2048xi32>
    %select_n3A_443 = arith.select %and3A_440, %iota3A, %broadcast_in_dim3A_442 : vector<128x2048xi1>, vector<128x2048xi32>
    %reduce_sum3A_444 = arith.constant dense<0> : vector<128xi32>
    %reduce_sum3A_445 = vector.multi_reduction <add>, %select_n3A_443, %reduce_sum3A_444 [1] : vector<128x2048xi32> to vector<128xi32>
    %broadcast_in_dim3A_446 = vector.shape_cast %reduce_sum3A_445 : vector<128xi32> to vector<128x1xi32>
    %eq3A_447 = arith.constant 29 : i32
    %eq3A_448 = vector.broadcast %eq3A_447 : i32 to vector<128x2048xi32>
    %eq3A_449 = arith.cmpi eq, %select_n3A, %eq3A_448 : vector<128x2048xi32>
    %and3A_450 = arith.andi %eq3A_158, %eq3A_449 : vector<128x2048xi1>
    %jit3A_451 = arith.constant 0 : i32
    %broadcast_in_dim3A_452 = vector.broadcast %jit3A_451 : i32 to vector<128x2048xi32>
    %select_n3A_453 = arith.select %and3A_450, %iota3A, %broadcast_in_dim3A_452 : vector<128x2048xi1>, vector<128x2048xi32>
    %reduce_sum3A_454 = arith.constant dense<0> : vector<128xi32>
    %reduce_sum3A_455 = vector.multi_reduction <add>, %select_n3A_453, %reduce_sum3A_454 [1] : vector<128x2048xi32> to vector<128xi32>
    %broadcast_in_dim3A_456 = vector.shape_cast %reduce_sum3A_455 : vector<128xi32> to vector<128x1xi32>
    %eq3A_457 = arith.constant 30 : i32
    %eq3A_458 = vector.broadcast %eq3A_457 : i32 to vector<128x2048xi32>
    %eq3A_459 = arith.cmpi eq, %select_n3A, %eq3A_458 : vector<128x2048xi32>
    %and3A_460 = arith.andi %eq3A_158, %eq3A_459 : vector<128x2048xi1>
    %jit3A_461 = arith.constant 0 : i32
    %broadcast_in_dim3A_462 = vector.broadcast %jit3A_461 : i32 to vector<128x2048xi32>
    %select_n3A_463 = arith.select %and3A_460, %iota3A, %broadcast_in_dim3A_462 : vector<128x2048xi1>, vector<128x2048xi32>
    %reduce_sum3A_464 = arith.constant dense<0> : vector<128xi32>
    %reduce_sum3A_465 = vector.multi_reduction <add>, %select_n3A_463, %reduce_sum3A_464 [1] : vector<128x2048xi32> to vector<128xi32>
    %broadcast_in_dim3A_466 = vector.shape_cast %reduce_sum3A_465 : vector<128xi32> to vector<128x1xi32>
    %eq3A_467 = arith.constant 31 : i32
    %eq3A_468 = vector.broadcast %eq3A_467 : i32 to vector<128x2048xi32>
    %eq3A_469 = arith.cmpi eq, %select_n3A, %eq3A_468 : vector<128x2048xi32>
    %and3A_470 = arith.andi %eq3A_158, %eq3A_469 : vector<128x2048xi1>
    %jit3A_471 = arith.constant 0 : i32
    %broadcast_in_dim3A_472 = vector.broadcast %jit3A_471 : i32 to vector<128x2048xi32>
    %select_n3A_473 = arith.select %and3A_470, %iota3A, %broadcast_in_dim3A_472 : vector<128x2048xi1>, vector<128x2048xi32>
    %reduce_sum3A_474 = arith.constant dense<0> : vector<128xi32>
    %reduce_sum3A_475 = vector.multi_reduction <add>, %select_n3A_473, %reduce_sum3A_474 [1] : vector<128x2048xi32> to vector<128xi32>
    %broadcast_in_dim3A_476 = vector.shape_cast %reduce_sum3A_475 : vector<128xi32> to vector<128x1xi32>
    %eq3A_477 = arith.constant 32 : i32
    %eq3A_478 = vector.broadcast %eq3A_477 : i32 to vector<128x2048xi32>
    %eq3A_479 = arith.cmpi eq, %select_n3A, %eq3A_478 : vector<128x2048xi32>
    %and3A_480 = arith.andi %eq3A_158, %eq3A_479 : vector<128x2048xi1>
    %jit3A_481 = arith.constant 0 : i32
    %broadcast_in_dim3A_482 = vector.broadcast %jit3A_481 : i32 to vector<128x2048xi32>
    %select_n3A_483 = arith.select %and3A_480, %iota3A, %broadcast_in_dim3A_482 : vector<128x2048xi1>, vector<128x2048xi32>
    %reduce_sum3A_484 = arith.constant dense<0> : vector<128xi32>
    %reduce_sum3A_485 = vector.multi_reduction <add>, %select_n3A_483, %reduce_sum3A_484 [1] : vector<128x2048xi32> to vector<128xi32>
    %broadcast_in_dim3A_486 = vector.shape_cast %reduce_sum3A_485 : vector<128xi32> to vector<128x1xi32>
    %eq3A_487 = arith.constant 33 : i32
    %eq3A_488 = vector.broadcast %eq3A_487 : i32 to vector<128x2048xi32>
    %eq3A_489 = arith.cmpi eq, %select_n3A, %eq3A_488 : vector<128x2048xi32>
    %and3A_490 = arith.andi %eq3A_158, %eq3A_489 : vector<128x2048xi1>
    %jit3A_491 = arith.constant 0 : i32
    %broadcast_in_dim3A_492 = vector.broadcast %jit3A_491 : i32 to vector<128x2048xi32>
    %select_n3A_493 = arith.select %and3A_490, %iota3A, %broadcast_in_dim3A_492 : vector<128x2048xi1>, vector<128x2048xi32>
    %reduce_sum3A_494 = arith.constant dense<0> : vector<128xi32>
    %reduce_sum3A_495 = vector.multi_reduction <add>, %select_n3A_493, %reduce_sum3A_494 [1] : vector<128x2048xi32> to vector<128xi32>
    %broadcast_in_dim3A_496 = vector.shape_cast %reduce_sum3A_495 : vector<128xi32> to vector<128x1xi32>
    %eq3A_497 = arith.constant 34 : i32
    %eq3A_498 = vector.broadcast %eq3A_497 : i32 to vector<128x2048xi32>
    %eq3A_499 = arith.cmpi eq, %select_n3A, %eq3A_498 : vector<128x2048xi32>
    %and3A_500 = arith.andi %eq3A_158, %eq3A_499 : vector<128x2048xi1>
    %jit3A_501 = arith.constant 0 : i32
    %broadcast_in_dim3A_502 = vector.broadcast %jit3A_501 : i32 to vector<128x2048xi32>
    %select_n3A_503 = arith.select %and3A_500, %iota3A, %broadcast_in_dim3A_502 : vector<128x2048xi1>, vector<128x2048xi32>
    %reduce_sum3A_504 = arith.constant dense<0> : vector<128xi32>
    %reduce_sum3A_505 = vector.multi_reduction <add>, %select_n3A_503, %reduce_sum3A_504 [1] : vector<128x2048xi32> to vector<128xi32>
    %broadcast_in_dim3A_506 = vector.shape_cast %reduce_sum3A_505 : vector<128xi32> to vector<128x1xi32>
    %eq3A_507 = arith.constant 35 : i32
    %eq3A_508 = vector.broadcast %eq3A_507 : i32 to vector<128x2048xi32>
    %eq3A_509 = arith.cmpi eq, %select_n3A, %eq3A_508 : vector<128x2048xi32>
    %and3A_510 = arith.andi %eq3A_158, %eq3A_509 : vector<128x2048xi1>
    %jit3A_511 = arith.constant 0 : i32
    %broadcast_in_dim3A_512 = vector.broadcast %jit3A_511 : i32 to vector<128x2048xi32>
    %select_n3A_513 = arith.select %and3A_510, %iota3A, %broadcast_in_dim3A_512 : vector<128x2048xi1>, vector<128x2048xi32>
    %reduce_sum3A_514 = arith.constant dense<0> : vector<128xi32>
    %reduce_sum3A_515 = vector.multi_reduction <add>, %select_n3A_513, %reduce_sum3A_514 [1] : vector<128x2048xi32> to vector<128xi32>
    %broadcast_in_dim3A_516 = vector.shape_cast %reduce_sum3A_515 : vector<128xi32> to vector<128x1xi32>
    %eq3A_517 = arith.constant 36 : i32
    %eq3A_518 = vector.broadcast %eq3A_517 : i32 to vector<128x2048xi32>
    %eq3A_519 = arith.cmpi eq, %select_n3A, %eq3A_518 : vector<128x2048xi32>
    %and3A_520 = arith.andi %eq3A_158, %eq3A_519 : vector<128x2048xi1>
    %jit3A_521 = arith.constant 0 : i32
    %broadcast_in_dim3A_522 = vector.broadcast %jit3A_521 : i32 to vector<128x2048xi32>
    %select_n3A_523 = arith.select %and3A_520, %iota3A, %broadcast_in_dim3A_522 : vector<128x2048xi1>, vector<128x2048xi32>
    %reduce_sum3A_524 = arith.constant dense<0> : vector<128xi32>
    %reduce_sum3A_525 = vector.multi_reduction <add>, %select_n3A_523, %reduce_sum3A_524 [1] : vector<128x2048xi32> to vector<128xi32>
    %broadcast_in_dim3A_526 = vector.shape_cast %reduce_sum3A_525 : vector<128xi32> to vector<128x1xi32>
    %eq3A_527 = arith.constant 37 : i32
    %eq3A_528 = vector.broadcast %eq3A_527 : i32 to vector<128x2048xi32>
    %eq3A_529 = arith.cmpi eq, %select_n3A, %eq3A_528 : vector<128x2048xi32>
    %and3A_530 = arith.andi %eq3A_158, %eq3A_529 : vector<128x2048xi1>
    %jit3A_531 = arith.constant 0 : i32
    %broadcast_in_dim3A_532 = vector.broadcast %jit3A_531 : i32 to vector<128x2048xi32>
    %select_n3A_533 = arith.select %and3A_530, %iota3A, %broadcast_in_dim3A_532 : vector<128x2048xi1>, vector<128x2048xi32>
    %reduce_sum3A_534 = arith.constant dense<0> : vector<128xi32>
    %reduce_sum3A_535 = vector.multi_reduction <add>, %select_n3A_533, %reduce_sum3A_534 [1] : vector<128x2048xi32> to vector<128xi32>
    %broadcast_in_dim3A_536 = vector.shape_cast %reduce_sum3A_535 : vector<128xi32> to vector<128x1xi32>
    %eq3A_537 = arith.constant 38 : i32
    %eq3A_538 = vector.broadcast %eq3A_537 : i32 to vector<128x2048xi32>
    %eq3A_539 = arith.cmpi eq, %select_n3A, %eq3A_538 : vector<128x2048xi32>
    %and3A_540 = arith.andi %eq3A_158, %eq3A_539 : vector<128x2048xi1>
    %jit3A_541 = arith.constant 0 : i32
    %broadcast_in_dim3A_542 = vector.broadcast %jit3A_541 : i32 to vector<128x2048xi32>
    %select_n3A_543 = arith.select %and3A_540, %iota3A, %broadcast_in_dim3A_542 : vector<128x2048xi1>, vector<128x2048xi32>
    %reduce_sum3A_544 = arith.constant dense<0> : vector<128xi32>
    %reduce_sum3A_545 = vector.multi_reduction <add>, %select_n3A_543, %reduce_sum3A_544 [1] : vector<128x2048xi32> to vector<128xi32>
    %broadcast_in_dim3A_546 = vector.shape_cast %reduce_sum3A_545 : vector<128xi32> to vector<128x1xi32>
    %eq3A_547 = arith.constant 39 : i32
    %eq3A_548 = vector.broadcast %eq3A_547 : i32 to vector<128x2048xi32>
    %eq3A_549 = arith.cmpi eq, %select_n3A, %eq3A_548 : vector<128x2048xi32>
    %and3A_550 = arith.andi %eq3A_158, %eq3A_549 : vector<128x2048xi1>
    %jit3A_551 = arith.constant 0 : i32
    %broadcast_in_dim3A_552 = vector.broadcast %jit3A_551 : i32 to vector<128x2048xi32>
    %select_n3A_553 = arith.select %and3A_550, %iota3A, %broadcast_in_dim3A_552 : vector<128x2048xi1>, vector<128x2048xi32>
    %reduce_sum3A_554 = arith.constant dense<0> : vector<128xi32>
    %reduce_sum3A_555 = vector.multi_reduction <add>, %select_n3A_553, %reduce_sum3A_554 [1] : vector<128x2048xi32> to vector<128xi32>
    %broadcast_in_dim3A_556 = vector.shape_cast %reduce_sum3A_555 : vector<128xi32> to vector<128x1xi32>
    %eq3A_557 = arith.constant 40 : i32
    %eq3A_558 = vector.broadcast %eq3A_557 : i32 to vector<128x2048xi32>
    %eq3A_559 = arith.cmpi eq, %select_n3A, %eq3A_558 : vector<128x2048xi32>
    %and3A_560 = arith.andi %eq3A_158, %eq3A_559 : vector<128x2048xi1>
    %jit3A_561 = arith.constant 0 : i32
    %broadcast_in_dim3A_562 = vector.broadcast %jit3A_561 : i32 to vector<128x2048xi32>
    %select_n3A_563 = arith.select %and3A_560, %iota3A, %broadcast_in_dim3A_562 : vector<128x2048xi1>, vector<128x2048xi32>
    %reduce_sum3A_564 = arith.constant dense<0> : vector<128xi32>
    %reduce_sum3A_565 = vector.multi_reduction <add>, %select_n3A_563, %reduce_sum3A_564 [1] : vector<128x2048xi32> to vector<128xi32>
    %broadcast_in_dim3A_566 = vector.shape_cast %reduce_sum3A_565 : vector<128xi32> to vector<128x1xi32>
    %eq3A_567 = arith.constant 41 : i32
    %eq3A_568 = vector.broadcast %eq3A_567 : i32 to vector<128x2048xi32>
    %eq3A_569 = arith.cmpi eq, %select_n3A, %eq3A_568 : vector<128x2048xi32>
    %and3A_570 = arith.andi %eq3A_158, %eq3A_569 : vector<128x2048xi1>
    %jit3A_571 = arith.constant 0 : i32
    %broadcast_in_dim3A_572 = vector.broadcast %jit3A_571 : i32 to vector<128x2048xi32>
    %select_n3A_573 = arith.select %and3A_570, %iota3A, %broadcast_in_dim3A_572 : vector<128x2048xi1>, vector<128x2048xi32>
    %reduce_sum3A_574 = arith.constant dense<0> : vector<128xi32>
    %reduce_sum3A_575 = vector.multi_reduction <add>, %select_n3A_573, %reduce_sum3A_574 [1] : vector<128x2048xi32> to vector<128xi32>
    %broadcast_in_dim3A_576 = vector.shape_cast %reduce_sum3A_575 : vector<128xi32> to vector<128x1xi32>
    %eq3A_577 = arith.constant 42 : i32
    %eq3A_578 = vector.broadcast %eq3A_577 : i32 to vector<128x2048xi32>
    %eq3A_579 = arith.cmpi eq, %select_n3A, %eq3A_578 : vector<128x2048xi32>
    %and3A_580 = arith.andi %eq3A_158, %eq3A_579 : vector<128x2048xi1>
    %jit3A_581 = arith.constant 0 : i32
    %broadcast_in_dim3A_582 = vector.broadcast %jit3A_581 : i32 to vector<128x2048xi32>
    %select_n3A_583 = arith.select %and3A_580, %iota3A, %broadcast_in_dim3A_582 : vector<128x2048xi1>, vector<128x2048xi32>
    %reduce_sum3A_584 = arith.constant dense<0> : vector<128xi32>
    %reduce_sum3A_585 = vector.multi_reduction <add>, %select_n3A_583, %reduce_sum3A_584 [1] : vector<128x2048xi32> to vector<128xi32>
    %broadcast_in_dim3A_586 = vector.shape_cast %reduce_sum3A_585 : vector<128xi32> to vector<128x1xi32>
    %eq3A_587 = arith.constant 43 : i32
    %eq3A_588 = vector.broadcast %eq3A_587 : i32 to vector<128x2048xi32>
    %eq3A_589 = arith.cmpi eq, %select_n3A, %eq3A_588 : vector<128x2048xi32>
    %and3A_590 = arith.andi %eq3A_158, %eq3A_589 : vector<128x2048xi1>
    %jit3A_591 = arith.constant 0 : i32
    %broadcast_in_dim3A_592 = vector.broadcast %jit3A_591 : i32 to vector<128x2048xi32>
    %select_n3A_593 = arith.select %and3A_590, %iota3A, %broadcast_in_dim3A_592 : vector<128x2048xi1>, vector<128x2048xi32>
    %reduce_sum3A_594 = arith.constant dense<0> : vector<128xi32>
    %reduce_sum3A_595 = vector.multi_reduction <add>, %select_n3A_593, %reduce_sum3A_594 [1] : vector<128x2048xi32> to vector<128xi32>
    %broadcast_in_dim3A_596 = vector.shape_cast %reduce_sum3A_595 : vector<128xi32> to vector<128x1xi32>
    %eq3A_597 = arith.constant 44 : i32
    %eq3A_598 = vector.broadcast %eq3A_597 : i32 to vector<128x2048xi32>
    %eq3A_599 = arith.cmpi eq, %select_n3A, %eq3A_598 : vector<128x2048xi32>
    %and3A_600 = arith.andi %eq3A_158, %eq3A_599 : vector<128x2048xi1>
    %jit3A_601 = arith.constant 0 : i32
    %broadcast_in_dim3A_602 = vector.broadcast %jit3A_601 : i32 to vector<128x2048xi32>
    %select_n3A_603 = arith.select %and3A_600, %iota3A, %broadcast_in_dim3A_602 : vector<128x2048xi1>, vector<128x2048xi32>
    %reduce_sum3A_604 = arith.constant dense<0> : vector<128xi32>
    %reduce_sum3A_605 = vector.multi_reduction <add>, %select_n3A_603, %reduce_sum3A_604 [1] : vector<128x2048xi32> to vector<128xi32>
    %broadcast_in_dim3A_606 = vector.shape_cast %reduce_sum3A_605 : vector<128xi32> to vector<128x1xi32>
    %eq3A_607 = arith.constant 45 : i32
    %eq3A_608 = vector.broadcast %eq3A_607 : i32 to vector<128x2048xi32>
    %eq3A_609 = arith.cmpi eq, %select_n3A, %eq3A_608 : vector<128x2048xi32>
    %and3A_610 = arith.andi %eq3A_158, %eq3A_609 : vector<128x2048xi1>
    %jit3A_611 = arith.constant 0 : i32
    %broadcast_in_dim3A_612 = vector.broadcast %jit3A_611 : i32 to vector<128x2048xi32>
    %select_n3A_613 = arith.select %and3A_610, %iota3A, %broadcast_in_dim3A_612 : vector<128x2048xi1>, vector<128x2048xi32>
    %reduce_sum3A_614 = arith.constant dense<0> : vector<128xi32>
    %reduce_sum3A_615 = vector.multi_reduction <add>, %select_n3A_613, %reduce_sum3A_614 [1] : vector<128x2048xi32> to vector<128xi32>
    %broadcast_in_dim3A_616 = vector.shape_cast %reduce_sum3A_615 : vector<128xi32> to vector<128x1xi32>
    %eq3A_617 = arith.constant 46 : i32
    %eq3A_618 = vector.broadcast %eq3A_617 : i32 to vector<128x2048xi32>
    %eq3A_619 = arith.cmpi eq, %select_n3A, %eq3A_618 : vector<128x2048xi32>
    %and3A_620 = arith.andi %eq3A_158, %eq3A_619 : vector<128x2048xi1>
    %jit3A_621 = arith.constant 0 : i32
    %broadcast_in_dim3A_622 = vector.broadcast %jit3A_621 : i32 to vector<128x2048xi32>
    %select_n3A_623 = arith.select %and3A_620, %iota3A, %broadcast_in_dim3A_622 : vector<128x2048xi1>, vector<128x2048xi32>
    %reduce_sum3A_624 = arith.constant dense<0> : vector<128xi32>
    %reduce_sum3A_625 = vector.multi_reduction <add>, %select_n3A_623, %reduce_sum3A_624 [1] : vector<128x2048xi32> to vector<128xi32>
    %broadcast_in_dim3A_626 = vector.shape_cast %reduce_sum3A_625 : vector<128xi32> to vector<128x1xi32>
    %eq3A_627 = arith.constant 47 : i32
    %eq3A_628 = vector.broadcast %eq3A_627 : i32 to vector<128x2048xi32>
    %eq3A_629 = arith.cmpi eq, %select_n3A, %eq3A_628 : vector<128x2048xi32>
    %and3A_630 = arith.andi %eq3A_158, %eq3A_629 : vector<128x2048xi1>
    %jit3A_631 = arith.constant 0 : i32
    %broadcast_in_dim3A_632 = vector.broadcast %jit3A_631 : i32 to vector<128x2048xi32>
    %select_n3A_633 = arith.select %and3A_630, %iota3A, %broadcast_in_dim3A_632 : vector<128x2048xi1>, vector<128x2048xi32>
    %reduce_sum3A_634 = arith.constant dense<0> : vector<128xi32>
    %reduce_sum3A_635 = vector.multi_reduction <add>, %select_n3A_633, %reduce_sum3A_634 [1] : vector<128x2048xi32> to vector<128xi32>
    %broadcast_in_dim3A_636 = vector.shape_cast %reduce_sum3A_635 : vector<128xi32> to vector<128x1xi32>
    %eq3A_637 = arith.constant 48 : i32
    %eq3A_638 = vector.broadcast %eq3A_637 : i32 to vector<128x2048xi32>
    %eq3A_639 = arith.cmpi eq, %select_n3A, %eq3A_638 : vector<128x2048xi32>
    %and3A_640 = arith.andi %eq3A_158, %eq3A_639 : vector<128x2048xi1>
    %jit3A_641 = arith.constant 0 : i32
    %broadcast_in_dim3A_642 = vector.broadcast %jit3A_641 : i32 to vector<128x2048xi32>
    %select_n3A_643 = arith.select %and3A_640, %iota3A, %broadcast_in_dim3A_642 : vector<128x2048xi1>, vector<128x2048xi32>
    %reduce_sum3A_644 = arith.constant dense<0> : vector<128xi32>
    %reduce_sum3A_645 = vector.multi_reduction <add>, %select_n3A_643, %reduce_sum3A_644 [1] : vector<128x2048xi32> to vector<128xi32>
    %broadcast_in_dim3A_646 = vector.shape_cast %reduce_sum3A_645 : vector<128xi32> to vector<128x1xi32>
    %eq3A_647 = arith.constant 49 : i32
    %eq3A_648 = vector.broadcast %eq3A_647 : i32 to vector<128x2048xi32>
    %eq3A_649 = arith.cmpi eq, %select_n3A, %eq3A_648 : vector<128x2048xi32>
    %and3A_650 = arith.andi %eq3A_158, %eq3A_649 : vector<128x2048xi1>
    %jit3A_651 = arith.constant 0 : i32
    %broadcast_in_dim3A_652 = vector.broadcast %jit3A_651 : i32 to vector<128x2048xi32>
    %select_n3A_653 = arith.select %and3A_650, %iota3A, %broadcast_in_dim3A_652 : vector<128x2048xi1>, vector<128x2048xi32>
    %reduce_sum3A_654 = arith.constant dense<0> : vector<128xi32>
    %reduce_sum3A_655 = vector.multi_reduction <add>, %select_n3A_653, %reduce_sum3A_654 [1] : vector<128x2048xi32> to vector<128xi32>
    %broadcast_in_dim3A_656 = vector.shape_cast %reduce_sum3A_655 : vector<128xi32> to vector<128x1xi32>
    %eq3A_657 = arith.constant 50 : i32
    %eq3A_658 = vector.broadcast %eq3A_657 : i32 to vector<128x2048xi32>
    %eq3A_659 = arith.cmpi eq, %select_n3A, %eq3A_658 : vector<128x2048xi32>
    %and3A_660 = arith.andi %eq3A_158, %eq3A_659 : vector<128x2048xi1>
    %jit3A_661 = arith.constant 0 : i32
    %broadcast_in_dim3A_662 = vector.broadcast %jit3A_661 : i32 to vector<128x2048xi32>
    %select_n3A_663 = arith.select %and3A_660, %iota3A, %broadcast_in_dim3A_662 : vector<128x2048xi1>, vector<128x2048xi32>
    %reduce_sum3A_664 = arith.constant dense<0> : vector<128xi32>
    %reduce_sum3A_665 = vector.multi_reduction <add>, %select_n3A_663, %reduce_sum3A_664 [1] : vector<128x2048xi32> to vector<128xi32>
    %broadcast_in_dim3A_666 = vector.shape_cast %reduce_sum3A_665 : vector<128xi32> to vector<128x1xi32>
    %eq3A_667 = arith.constant 51 : i32
    %eq3A_668 = vector.broadcast %eq3A_667 : i32 to vector<128x2048xi32>
    %eq3A_669 = arith.cmpi eq, %select_n3A, %eq3A_668 : vector<128x2048xi32>
    %and3A_670 = arith.andi %eq3A_158, %eq3A_669 : vector<128x2048xi1>
    %jit3A_671 = arith.constant 0 : i32
    %broadcast_in_dim3A_672 = vector.broadcast %jit3A_671 : i32 to vector<128x2048xi32>
    %select_n3A_673 = arith.select %and3A_670, %iota3A, %broadcast_in_dim3A_672 : vector<128x2048xi1>, vector<128x2048xi32>
    %reduce_sum3A_674 = arith.constant dense<0> : vector<128xi32>
    %reduce_sum3A_675 = vector.multi_reduction <add>, %select_n3A_673, %reduce_sum3A_674 [1] : vector<128x2048xi32> to vector<128xi32>
    %broadcast_in_dim3A_676 = vector.shape_cast %reduce_sum3A_675 : vector<128xi32> to vector<128x1xi32>
    %eq3A_677 = arith.constant 52 : i32
    %eq3A_678 = vector.broadcast %eq3A_677 : i32 to vector<128x2048xi32>
    %eq3A_679 = arith.cmpi eq, %select_n3A, %eq3A_678 : vector<128x2048xi32>
    %and3A_680 = arith.andi %eq3A_158, %eq3A_679 : vector<128x2048xi1>
    %jit3A_681 = arith.constant 0 : i32
    %broadcast_in_dim3A_682 = vector.broadcast %jit3A_681 : i32 to vector<128x2048xi32>
    %select_n3A_683 = arith.select %and3A_680, %iota3A, %broadcast_in_dim3A_682 : vector<128x2048xi1>, vector<128x2048xi32>
    %reduce_sum3A_684 = arith.constant dense<0> : vector<128xi32>
    %reduce_sum3A_685 = vector.multi_reduction <add>, %select_n3A_683, %reduce_sum3A_684 [1] : vector<128x2048xi32> to vector<128xi32>
    %broadcast_in_dim3A_686 = vector.shape_cast %reduce_sum3A_685 : vector<128xi32> to vector<128x1xi32>
    %eq3A_687 = arith.constant 53 : i32
    %eq3A_688 = vector.broadcast %eq3A_687 : i32 to vector<128x2048xi32>
    %eq3A_689 = arith.cmpi eq, %select_n3A, %eq3A_688 : vector<128x2048xi32>
    %and3A_690 = arith.andi %eq3A_158, %eq3A_689 : vector<128x2048xi1>
    %jit3A_691 = arith.constant 0 : i32
    %broadcast_in_dim3A_692 = vector.broadcast %jit3A_691 : i32 to vector<128x2048xi32>
    %select_n3A_693 = arith.select %and3A_690, %iota3A, %broadcast_in_dim3A_692 : vector<128x2048xi1>, vector<128x2048xi32>
    %reduce_sum3A_694 = arith.constant dense<0> : vector<128xi32>
    %reduce_sum3A_695 = vector.multi_reduction <add>, %select_n3A_693, %reduce_sum3A_694 [1] : vector<128x2048xi32> to vector<128xi32>
    %broadcast_in_dim3A_696 = vector.shape_cast %reduce_sum3A_695 : vector<128xi32> to vector<128x1xi32>
    %eq3A_697 = arith.constant 54 : i32
    %eq3A_698 = vector.broadcast %eq3A_697 : i32 to vector<128x2048xi32>
    %eq3A_699 = arith.cmpi eq, %select_n3A, %eq3A_698 : vector<128x2048xi32>
    %and3A_700 = arith.andi %eq3A_158, %eq3A_699 : vector<128x2048xi1>
    %jit3A_701 = arith.constant 0 : i32
    %broadcast_in_dim3A_702 = vector.broadcast %jit3A_701 : i32 to vector<128x2048xi32>
    %select_n3A_703 = arith.select %and3A_700, %iota3A, %broadcast_in_dim3A_702 : vector<128x2048xi1>, vector<128x2048xi32>
    %reduce_sum3A_704 = arith.constant dense<0> : vector<128xi32>
    %reduce_sum3A_705 = vector.multi_reduction <add>, %select_n3A_703, %reduce_sum3A_704 [1] : vector<128x2048xi32> to vector<128xi32>
    %broadcast_in_dim3A_706 = vector.shape_cast %reduce_sum3A_705 : vector<128xi32> to vector<128x1xi32>
    %eq3A_707 = arith.constant 55 : i32
    %eq3A_708 = vector.broadcast %eq3A_707 : i32 to vector<128x2048xi32>
    %eq3A_709 = arith.cmpi eq, %select_n3A, %eq3A_708 : vector<128x2048xi32>
    %and3A_710 = arith.andi %eq3A_158, %eq3A_709 : vector<128x2048xi1>
    %jit3A_711 = arith.constant 0 : i32
    %broadcast_in_dim3A_712 = vector.broadcast %jit3A_711 : i32 to vector<128x2048xi32>
    %select_n3A_713 = arith.select %and3A_710, %iota3A, %broadcast_in_dim3A_712 : vector<128x2048xi1>, vector<128x2048xi32>
    %reduce_sum3A_714 = arith.constant dense<0> : vector<128xi32>
    %reduce_sum3A_715 = vector.multi_reduction <add>, %select_n3A_713, %reduce_sum3A_714 [1] : vector<128x2048xi32> to vector<128xi32>
    %broadcast_in_dim3A_716 = vector.shape_cast %reduce_sum3A_715 : vector<128xi32> to vector<128x1xi32>
    %eq3A_717 = arith.constant 56 : i32
    %eq3A_718 = vector.broadcast %eq3A_717 : i32 to vector<128x2048xi32>
    %eq3A_719 = arith.cmpi eq, %select_n3A, %eq3A_718 : vector<128x2048xi32>
    %and3A_720 = arith.andi %eq3A_158, %eq3A_719 : vector<128x2048xi1>
    %jit3A_721 = arith.constant 0 : i32
    %broadcast_in_dim3A_722 = vector.broadcast %jit3A_721 : i32 to vector<128x2048xi32>
    %select_n3A_723 = arith.select %and3A_720, %iota3A, %broadcast_in_dim3A_722 : vector<128x2048xi1>, vector<128x2048xi32>
    %reduce_sum3A_724 = arith.constant dense<0> : vector<128xi32>
    %reduce_sum3A_725 = vector.multi_reduction <add>, %select_n3A_723, %reduce_sum3A_724 [1] : vector<128x2048xi32> to vector<128xi32>
    %broadcast_in_dim3A_726 = vector.shape_cast %reduce_sum3A_725 : vector<128xi32> to vector<128x1xi32>
    %eq3A_727 = arith.constant 57 : i32
    %eq3A_728 = vector.broadcast %eq3A_727 : i32 to vector<128x2048xi32>
    %eq3A_729 = arith.cmpi eq, %select_n3A, %eq3A_728 : vector<128x2048xi32>
    %and3A_730 = arith.andi %eq3A_158, %eq3A_729 : vector<128x2048xi1>
    %jit3A_731 = arith.constant 0 : i32
    %broadcast_in_dim3A_732 = vector.broadcast %jit3A_731 : i32 to vector<128x2048xi32>
    %select_n3A_733 = arith.select %and3A_730, %iota3A, %broadcast_in_dim3A_732 : vector<128x2048xi1>, vector<128x2048xi32>
    %reduce_sum3A_734 = arith.constant dense<0> : vector<128xi32>
    %reduce_sum3A_735 = vector.multi_reduction <add>, %select_n3A_733, %reduce_sum3A_734 [1] : vector<128x2048xi32> to vector<128xi32>
    %broadcast_in_dim3A_736 = vector.shape_cast %reduce_sum3A_735 : vector<128xi32> to vector<128x1xi32>
    %eq3A_737 = arith.constant 58 : i32
    %eq3A_738 = vector.broadcast %eq3A_737 : i32 to vector<128x2048xi32>
    %eq3A_739 = arith.cmpi eq, %select_n3A, %eq3A_738 : vector<128x2048xi32>
    %and3A_740 = arith.andi %eq3A_158, %eq3A_739 : vector<128x2048xi1>
    %jit3A_741 = arith.constant 0 : i32
    %broadcast_in_dim3A_742 = vector.broadcast %jit3A_741 : i32 to vector<128x2048xi32>
    %select_n3A_743 = arith.select %and3A_740, %iota3A, %broadcast_in_dim3A_742 : vector<128x2048xi1>, vector<128x2048xi32>
    %reduce_sum3A_744 = arith.constant dense<0> : vector<128xi32>
    %reduce_sum3A_745 = vector.multi_reduction <add>, %select_n3A_743, %reduce_sum3A_744 [1] : vector<128x2048xi32> to vector<128xi32>
    %broadcast_in_dim3A_746 = vector.shape_cast %reduce_sum3A_745 : vector<128xi32> to vector<128x1xi32>
    %eq3A_747 = arith.constant 59 : i32
    %eq3A_748 = vector.broadcast %eq3A_747 : i32 to vector<128x2048xi32>
    %eq3A_749 = arith.cmpi eq, %select_n3A, %eq3A_748 : vector<128x2048xi32>
    %and3A_750 = arith.andi %eq3A_158, %eq3A_749 : vector<128x2048xi1>
    %jit3A_751 = arith.constant 0 : i32
    %broadcast_in_dim3A_752 = vector.broadcast %jit3A_751 : i32 to vector<128x2048xi32>
    %select_n3A_753 = arith.select %and3A_750, %iota3A, %broadcast_in_dim3A_752 : vector<128x2048xi1>, vector<128x2048xi32>
    %reduce_sum3A_754 = arith.constant dense<0> : vector<128xi32>
    %reduce_sum3A_755 = vector.multi_reduction <add>, %select_n3A_753, %reduce_sum3A_754 [1] : vector<128x2048xi32> to vector<128xi32>
    %broadcast_in_dim3A_756 = vector.shape_cast %reduce_sum3A_755 : vector<128xi32> to vector<128x1xi32>
    %eq3A_757 = arith.constant 60 : i32
    %eq3A_758 = vector.broadcast %eq3A_757 : i32 to vector<128x2048xi32>
    %eq3A_759 = arith.cmpi eq, %select_n3A, %eq3A_758 : vector<128x2048xi32>
    %and3A_760 = arith.andi %eq3A_158, %eq3A_759 : vector<128x2048xi1>
    %jit3A_761 = arith.constant 0 : i32
    %broadcast_in_dim3A_762 = vector.broadcast %jit3A_761 : i32 to vector<128x2048xi32>
    %select_n3A_763 = arith.select %and3A_760, %iota3A, %broadcast_in_dim3A_762 : vector<128x2048xi1>, vector<128x2048xi32>
    %reduce_sum3A_764 = arith.constant dense<0> : vector<128xi32>
    %reduce_sum3A_765 = vector.multi_reduction <add>, %select_n3A_763, %reduce_sum3A_764 [1] : vector<128x2048xi32> to vector<128xi32>
    %broadcast_in_dim3A_766 = vector.shape_cast %reduce_sum3A_765 : vector<128xi32> to vector<128x1xi32>
    %eq3A_767 = arith.constant 61 : i32
    %eq3A_768 = vector.broadcast %eq3A_767 : i32 to vector<128x2048xi32>
    %eq3A_769 = arith.cmpi eq, %select_n3A, %eq3A_768 : vector<128x2048xi32>
    %and3A_770 = arith.andi %eq3A_158, %eq3A_769 : vector<128x2048xi1>
    %jit3A_771 = arith.constant 0 : i32
    %broadcast_in_dim3A_772 = vector.broadcast %jit3A_771 : i32 to vector<128x2048xi32>
    %select_n3A_773 = arith.select %and3A_770, %iota3A, %broadcast_in_dim3A_772 : vector<128x2048xi1>, vector<128x2048xi32>
    %reduce_sum3A_774 = arith.constant dense<0> : vector<128xi32>
    %reduce_sum3A_775 = vector.multi_reduction <add>, %select_n3A_773, %reduce_sum3A_774 [1] : vector<128x2048xi32> to vector<128xi32>
    %broadcast_in_dim3A_776 = vector.shape_cast %reduce_sum3A_775 : vector<128xi32> to vector<128x1xi32>
    %eq3A_777 = arith.constant 62 : i32
    %eq3A_778 = vector.broadcast %eq3A_777 : i32 to vector<128x2048xi32>
    %eq3A_779 = arith.cmpi eq, %select_n3A, %eq3A_778 : vector<128x2048xi32>
    %and3A_780 = arith.andi %eq3A_158, %eq3A_779 : vector<128x2048xi1>
    %jit3A_781 = arith.constant 0 : i32
    %broadcast_in_dim3A_782 = vector.broadcast %jit3A_781 : i32 to vector<128x2048xi32>
    %select_n3A_783 = arith.select %and3A_780, %iota3A, %broadcast_in_dim3A_782 : vector<128x2048xi1>, vector<128x2048xi32>
    %reduce_sum3A_784 = arith.constant dense<0> : vector<128xi32>
    %reduce_sum3A_785 = vector.multi_reduction <add>, %select_n3A_783, %reduce_sum3A_784 [1] : vector<128x2048xi32> to vector<128xi32>
    %broadcast_in_dim3A_786 = vector.shape_cast %reduce_sum3A_785 : vector<128xi32> to vector<128x1xi32>
    %eq3A_787 = arith.constant 63 : i32
    %eq3A_788 = vector.broadcast %eq3A_787 : i32 to vector<128x2048xi32>
    %eq3A_789 = arith.cmpi eq, %select_n3A, %eq3A_788 : vector<128x2048xi32>
    %and3A_790 = arith.andi %eq3A_158, %eq3A_789 : vector<128x2048xi1>
    %jit3A_791 = arith.constant 0 : i32
    %broadcast_in_dim3A_792 = vector.broadcast %jit3A_791 : i32 to vector<128x2048xi32>
    %select_n3A_793 = arith.select %and3A_790, %iota3A, %broadcast_in_dim3A_792 : vector<128x2048xi1>, vector<128x2048xi32>
    %reduce_sum3A_794 = arith.constant dense<0> : vector<128xi32>
    %reduce_sum3A_795 = vector.multi_reduction <add>, %select_n3A_793, %reduce_sum3A_794 [1] : vector<128x2048xi32> to vector<128xi32>
    %broadcast_in_dim3A_796 = vector.shape_cast %reduce_sum3A_795 : vector<128xi32> to vector<128x1xi32>
    %concatenate3A_797 = tpu.concatenate %broadcast_in_dim3A_166, %broadcast_in_dim3A_176, %broadcast_in_dim3A_186, %broadcast_in_dim3A_196, %broadcast_in_dim3A_206, %broadcast_in_dim3A_216, %broadcast_in_dim3A_226, %broadcast_in_dim3A_236, %broadcast_in_dim3A_246, %broadcast_in_dim3A_256, %broadcast_in_dim3A_266, %broadcast_in_dim3A_276, %broadcast_in_dim3A_286, %broadcast_in_dim3A_296, %broadcast_in_dim3A_306, %broadcast_in_dim3A_316, %broadcast_in_dim3A_326, %broadcast_in_dim3A_336, %broadcast_in_dim3A_346, %broadcast_in_dim3A_356, %broadcast_in_dim3A_366, %broadcast_in_dim3A_376, %broadcast_in_dim3A_386, %broadcast_in_dim3A_396, %broadcast_in_dim3A_406, %broadcast_in_dim3A_416, %broadcast_in_dim3A_426, %broadcast_in_dim3A_436, %broadcast_in_dim3A_446, %broadcast_in_dim3A_456, %broadcast_in_dim3A_466, %broadcast_in_dim3A_476, %broadcast_in_dim3A_486, %broadcast_in_dim3A_496, %broadcast_in_dim3A_506, %broadcast_in_dim3A_516, %broadcast_in_dim3A_526, %broadcast_in_dim3A_536, %broadcast_in_dim3A_546, %broadcast_in_dim3A_556, %broadcast_in_dim3A_566, %broadcast_in_dim3A_576, %broadcast_in_dim3A_586, %broadcast_in_dim3A_596, %broadcast_in_dim3A_606, %broadcast_in_dim3A_616, %broadcast_in_dim3A_626, %broadcast_in_dim3A_636, %broadcast_in_dim3A_646, %broadcast_in_dim3A_656, %broadcast_in_dim3A_666, %broadcast_in_dim3A_676, %broadcast_in_dim3A_686, %broadcast_in_dim3A_696, %broadcast_in_dim3A_706, %broadcast_in_dim3A_716, %broadcast_in_dim3A_726, %broadcast_in_dim3A_736, %broadcast_in_dim3A_746, %broadcast_in_dim3A_756, %broadcast_in_dim3A_766, %broadcast_in_dim3A_776, %broadcast_in_dim3A_786, %broadcast_in_dim3A_796 in 1 : vector<128x1xi32>, vector<128x1xi32>, vector<128x1xi32>, vector<128x1xi32>, vector<128x1xi32>, vector<128x1xi32>, vector<128x1xi32>, vector<128x1xi32>, vector<128x1xi32>, vector<128x1xi32>, vector<128x1xi32>, vector<128x1xi32>, vector<128x1xi32>, vector<128x1xi32>, vector<128x1xi32>, vector<128x1xi32>, vector<128x1xi32>, vector<128x1xi32>, vector<128x1xi32>, vector<128x1xi32>, vector<128x1xi32>, vector<128x1xi32>, vector<128x1xi32>, vector<128x1xi32>, vector<128x1xi32>, vector<128x1xi32>, vector<128x1xi32>, vector<128x1xi32>, vector<128x1xi32>, vector<128x1xi32>, vector<128x1xi32>, vector<128x1xi32>, vector<128x1xi32>, vector<128x1xi32>, vector<128x1xi32>, vector<128x1xi32>, vector<128x1xi32>, vector<128x1xi32>, vector<128x1xi32>, vector<128x1xi32>, vector<128x1xi32>, vector<128x1xi32>, vector<128x1xi32>, vector<128x1xi32>, vector<128x1xi32>, vector<128x1xi32>, vector<128x1xi32>, vector<128x1xi32>, vector<128x1xi32>, vector<128x1xi32>, vector<128x1xi32>, vector<128x1xi32>, vector<128x1xi32>, vector<128x1xi32>, vector<128x1xi32>, vector<128x1xi32>, vector<128x1xi32>, vector<128x1xi32>, vector<128x1xi32>, vector<128x1xi32>, vector<128x1xi32>, vector<128x1xi32>, vector<128x1xi32>, vector<128x1xi32> -> vector<128x64xi32>
    %swap3A = arith.constant 0 : index
    %swap3A_798 = arith.constant 0 : index
    %swap3A_799 = vector.load %arg2[%swap3A, %swap3A_798] : memref<128x64xi32, #tpu.memory_space<vmem>>, vector<128x64xi32>
    tpu.vector_store %arg2[%swap3A, %swap3A_798], %concatenate3A_797 {strides = array<i32>} : memref<128x64xi32, #tpu.memory_space<vmem>>, vector<128x64xi32>,
    return
  }
  func.func @transform_0(%arg0: i32) -> (i32, i32) {
    %c0_i32 = arith.constant 0 : i32
    %c0_i32_0 = arith.constant 0 : i32
    %c0_i32_1 = arith.constant 0 : i32
    return %c0_i32, %c0_i32_0 : i32, i32
  }
  func.func @transform_1(%arg0: i32) -> (i32, i32) {
    %c0_i32 = arith.constant 0 : i32
    %c0_i32_0 = arith.constant 0 : i32
    return %arg0, %c0_i32 : i32, i32
  }
}

module attributes {stable_mosaic.version = 14 : i64} {
  func.func @_dense_body(%arg0: i32, %arg1: memref<8192x128xf32, #tpu.memory_space<vmem>>, %arg2: memref<2048x4xf32, #tpu.memory_space<vmem>>, %arg3: memref<2048x2xf32, #tpu.memory_space<vmem>>, %arg4: memref<5x64xf32, #tpu.memory_space<vmem>>, %arg5: memref<1x64xf32, #tpu.memory_space<vmem>>, %arg6: memref<64x128xf32, #tpu.memory_space<vmem>>, %arg7: memref<1x128xf32, #tpu.memory_space<vmem>>, %arg8: memref<132x64xf32, #tpu.memory_space<vmem>>, %arg9: memref<1x64xf32, #tpu.memory_space<vmem>>, %arg10: memref<64x128xf32, #tpu.memory_space<vmem>>, %arg11: memref<1x128xf32, #tpu.memory_space<vmem>>, %arg12: memref<128x64xf32, #tpu.memory_space<vmem>>, %arg13: memref<1x64xf32, #tpu.memory_space<vmem>>, %arg14: memref<64x4xf32, #tpu.memory_space<vmem>>, %arg15: memref<1x4xf32, #tpu.memory_space<vmem>>, %arg16: memref<128x2xf32, #tpu.memory_space<vmem>>) attributes {dimension_semantics = [#tpu.dimension_semantics<arbitrary>], iteration_bounds = array<i64: 16>, scalar_prefetch = 0 : i64, scratch_operands = 0 : i64, tpu.core_type = #tpu.core_type<tc>, window_params = [{transform_indices = @transform_0, window_bounds = array<i64: 8192, 128>}, {pipeline_mode = #tpu.pipeline_mode<synchronous>, transform_indices = @transform_1, window_bounds = array<i64: 2048, 4>}, {pipeline_mode = #tpu.pipeline_mode<synchronous>, transform_indices = @transform_2, window_bounds = array<i64: 2048, 2>}, {pipeline_mode = #tpu.pipeline_mode<synchronous>, transform_indices = @transform_3, window_bounds = array<i64: 5, 64>}, {pipeline_mode = #tpu.pipeline_mode<synchronous>, transform_indices = @transform_4, window_bounds = array<i64: 1, 64>}, {pipeline_mode = #tpu.pipeline_mode<synchronous>, transform_indices = @transform_5, window_bounds = array<i64: 64, 128>}, {pipeline_mode = #tpu.pipeline_mode<synchronous>, transform_indices = @transform_6, window_bounds = array<i64: 1, 128>}, {pipeline_mode = #tpu.pipeline_mode<synchronous>, transform_indices = @transform_7, window_bounds = array<i64: 132, 64>}, {pipeline_mode = #tpu.pipeline_mode<synchronous>, transform_indices = @transform_8, window_bounds = array<i64: 1, 64>}, {pipeline_mode = #tpu.pipeline_mode<synchronous>, transform_indices = @transform_9, window_bounds = array<i64: 64, 128>}, {pipeline_mode = #tpu.pipeline_mode<synchronous>, transform_indices = @transform_10, window_bounds = array<i64: 1, 128>}, {pipeline_mode = #tpu.pipeline_mode<synchronous>, transform_indices = @transform_11, window_bounds = array<i64: 128, 64>}, {pipeline_mode = #tpu.pipeline_mode<synchronous>, transform_indices = @transform_12, window_bounds = array<i64: 1, 64>}, {pipeline_mode = #tpu.pipeline_mode<synchronous>, transform_indices = @transform_13, window_bounds = array<i64: 64, 4>}, {pipeline_mode = #tpu.pipeline_mode<synchronous>, transform_indices = @transform_14, window_bounds = array<i64: 1, 4>}, {transform_indices = @transform_15, window_bounds = array<i64: 128, 2>}]} {
    %mul3A = arith.constant 128 : i32
    %mul3A_0 = arith.muli %arg0, %mul3A : i32
    %get3A = arith.constant 0 : index
    %get3A_1 = arith.constant 0 : index
    %get3A_2 = vector.load %arg1[%get3A, %get3A_1] : memref<8192x128xf32, #tpu.memory_space<vmem>>, vector<8192x128xf32>
    %get3A_3 = arith.index_cast %mul3A_0 : i32 to index
    %get3A_4 = arith.constant 0 : index
    %get3A_5 = vector.load %arg2[%get3A_3, %get3A_4] : memref<2048x4xf32, #tpu.memory_space<vmem>>, vector<128x4xf32>
    %broadcast_in_dim3A = vector.shape_cast %get3A_5 : vector<128x4xf32> to vector<128x1x4xf32>
    %broadcast_in_dim3A_6 = vector.broadcast %broadcast_in_dim3A : vector<128x1x4xf32> to vector<128x64x4xf32>
    %reshape3A = vector.shape_cast %broadcast_in_dim3A_6 : vector<128x64x4xf32> to vector<8192x4xf32>
    %slice3A = vector.extract_strided_slice %get3A_2 {offsets = [0, 0], sizes = [8192, 4], strides = [1, 1]} : vector<8192x128xf32> to vector<8192x4xf32>
    %sub3A = arith.subf %reshape3A, %slice3A : vector<8192x4xf32>
    %slice3A_7 = vector.extract_strided_slice %sub3A {offsets = [0, 0], sizes = [8192, 1], strides = [1, 1]} : vector<8192x4xf32> to vector<8192x1xf32>
    %slice3A_8 = vector.extract_strided_slice %sub3A {offsets = [0, 1], sizes = [8192, 1], strides = [1, 1]} : vector<8192x4xf32> to vector<8192x1xf32>
    %mul3A_9 = arith.mulf %slice3A_7, %slice3A_7 : vector<8192x1xf32>
    %mul3A_10 = arith.mulf %slice3A_8, %slice3A_8 : vector<8192x1xf32>
    %add3A = arith.addf %mul3A_9, %mul3A_10 : vector<8192x1xf32>
    %sqrt3A = math.sqrt %add3A : vector<8192x1xf32>
    %slice3A_11 = vector.extract_strided_slice %sub3A {offsets = [0, 0], sizes = [8192, 1], strides = [1, 1]} : vector<8192x4xf32> to vector<8192x1xf32>
    %abs3A = math.absf %slice3A_11 : vector<8192x1xf32>
    %slice3A_12 = vector.extract_strided_slice %sub3A {offsets = [0, 1], sizes = [8192, 1], strides = [1, 1]} : vector<8192x4xf32> to vector<8192x1xf32>
    %abs3A_13 = math.absf %slice3A_12 : vector<8192x1xf32>
    %add3A_14 = arith.addf %abs3A, %abs3A_13 : vector<8192x1xf32>
    %slice3A_15 = vector.extract_strided_slice %sub3A {offsets = [0, 2], sizes = [8192, 1], strides = [1, 1]} : vector<8192x4xf32> to vector<8192x1xf32>
    %abs3A_16 = math.absf %slice3A_15 : vector<8192x1xf32>
    %add3A_17 = arith.addf %add3A_14, %abs3A_16 : vector<8192x1xf32>
    %slice3A_18 = vector.extract_strided_slice %sub3A {offsets = [0, 3], sizes = [8192, 1], strides = [1, 1]} : vector<8192x4xf32> to vector<8192x1xf32>
    %abs3A_19 = math.absf %slice3A_18 : vector<8192x1xf32>
    %add3A_20 = arith.addf %add3A_17, %abs3A_19 : vector<8192x1xf32>
    %eq3A = arith.constant 0.000000e+00 : f32
    %eq3A_21 = vector.broadcast %eq3A : f32 to vector<8192x1xf32>
    %eq3A_22 = arith.cmpf oeq, %add3A_20, %eq3A_21 : vector<8192x1xf32>
    %convert_element_type3A = arith.extui %eq3A_22 : vector<8192x1xi1> to vector<8192x1xi32>
    %convert_element_type3A_23 = arith.sitofp %convert_element_type3A : vector<8192x1xi32> to vector<8192x1xf32>
    %get3A_24 = arith.constant 0 : index
    %get3A_25 = arith.constant 0 : index
    %get3A_26 = vector.load %arg4[%get3A_24, %get3A_25] : memref<5x64xf32, #tpu.memory_space<vmem>>, vector<4x64xf32>
    %dot_general3A = arith.constant dense<0.000000e+00> : vector<8192x64xf32>
    %dot_general3A_27 = tpu.matmul %sub3A, %get3A_26, %dot_general3A {dimension_numbers = #tpu.dot_dimension_numbers<[1], [0], [0], [1], [0, 0, 1, 1], [], []>, transpose_lhs_hint = false} : vector<8192x4xf32>, vector<4x64xf32>, vector<8192x64xf32> -> vector<8192x64xf32>
    %get3A_28 = arith.constant 4 : index
    %get3A_29 = arith.constant 0 : index
    %get3A_30 = vector.load %arg4[%get3A_28, %get3A_29] : memref<5x64xf32, #tpu.memory_space<vmem>>, vector<1x64xf32>
    %mul3A_31 = vector.broadcast %convert_element_type3A_23 : vector<8192x1xf32> to vector<8192x64xf32>
    %mul3A_32 = vector.broadcast %get3A_30 : vector<1x64xf32> to vector<8192x64xf32>
    %mul3A_33 = arith.mulf %mul3A_31, %mul3A_32 : vector<8192x64xf32>
    %add3A_34 = arith.addf %dot_general3A_27, %mul3A_33 : vector<8192x64xf32>
    %get3A_35 = arith.constant 0 : index
    %get3A_36 = arith.constant 0 : index
    %get3A_37 = vector.load %arg5[%get3A_35, %get3A_36] : memref<1x64xf32, #tpu.memory_space<vmem>>, vector<1x64xf32>
    %add3A_38 = vector.broadcast %get3A_37 : vector<1x64xf32> to vector<8192x64xf32>
    %add3A_39 = arith.addf %add3A_34, %add3A_38 : vector<8192x64xf32>
    %max3A = arith.constant 0.000000e+00 : f32
    %max3A_40 = vector.broadcast %max3A : f32 to vector<8192x64xf32>
    %max3A_41 = arith.maximumf %add3A_39, %max3A_40 : vector<8192x64xf32>
    %get3A_42 = arith.constant 0 : index
    %get3A_43 = arith.constant 0 : index
    %get3A_44 = vector.load %arg6[%get3A_42, %get3A_43] : memref<64x128xf32, #tpu.memory_space<vmem>>, vector<64x128xf32>
    %dot_general3A_45 = arith.constant dense<0.000000e+00> : vector<8192x128xf32>
    %dot_general3A_46 = tpu.matmul %max3A_41, %get3A_44, %dot_general3A_45 {dimension_numbers = #tpu.dot_dimension_numbers<[1], [0], [0], [1], [0, 0, 1, 1], [], []>, transpose_lhs_hint = false} : vector<8192x64xf32>, vector<64x128xf32>, vector<8192x128xf32> -> vector<8192x128xf32>
    %get3A_47 = arith.constant 0 : index
    %get3A_48 = arith.constant 0 : index
    %get3A_49 = vector.load %arg7[%get3A_47, %get3A_48] : memref<1x128xf32, #tpu.memory_space<vmem>>, vector<1x128xf32>
    %add3A_50 = vector.broadcast %get3A_49 : vector<1x128xf32> to vector<8192x128xf32>
    %add3A_51 = arith.addf %dot_general3A_46, %add3A_50 : vector<8192x128xf32>
    %max3A_52 = arith.constant 0.000000e+00 : f32
    %max3A_53 = vector.broadcast %max3A_52 : f32 to vector<8192x128xf32>
    %max3A_54 = arith.maximumf %add3A_51, %max3A_53 : vector<8192x128xf32>
    %lt3A = arith.constant 1.000000e+00 : f32
    %lt3A_55 = vector.broadcast %lt3A : f32 to vector<8192x1xf32>
    %lt3A_56 = arith.cmpf olt, %sqrt3A, %lt3A_55 : vector<8192x1xf32>
    %convert_element_type3A_57 = arith.extui %lt3A_56 : vector<8192x1xi1> to vector<8192x1xi32>
    %convert_element_type3A_58 = arith.sitofp %convert_element_type3A_57 : vector<8192x1xi32> to vector<8192x1xf32>
    %mul3A_59 = vector.broadcast %convert_element_type3A_58 : vector<8192x1xf32> to vector<8192x128xf32>
    %mul3A_60 = arith.mulf %max3A_54, %mul3A_59 : vector<8192x128xf32>
    %reshape3A_61 = vector.shape_cast %mul3A_60 : vector<8192x128xf32> to vector<128x64x128xf32>
    %reduce_max3A = arith.constant dense<0xFF800000> : vector<128x128xf32>
    %reduce_max3A_62 = vector.multi_reduction <maximumf>, %reshape3A_61, %reduce_max3A [1] : vector<128x64x128xf32> to vector<128x128xf32>
    %get3A_63 = arith.index_cast %mul3A_0 : i32 to index
    %get3A_64 = arith.constant 0 : index
    %get3A_65 = vector.load %arg3[%get3A_63, %get3A_64] : memref<2048x2xf32, #tpu.memory_space<vmem>>, vector<128x2xf32>
    %slice3A_66 = vector.extract_strided_slice %get3A_5 {offsets = [0, 0], sizes = [128, 2], strides = [1, 1]} : vector<128x4xf32> to vector<128x2xf32>
    %sub3A_67 = arith.subf %slice3A_66, %get3A_65 : vector<128x2xf32>
    %slice3A_68 = vector.extract_strided_slice %get3A_5 {offsets = [0, 2], sizes = [128, 2], strides = [1, 1]} : vector<128x4xf32> to vector<128x2xf32>
    %concatenate3A = tpu.concatenate %sub3A_67, %slice3A_68 in 1 : vector<128x2xf32>, vector<128x2xf32> -> vector<128x4xf32>
    %get3A_69 = arith.constant 0 : index
    %get3A_70 = arith.constant 0 : index
    %get3A_71 = vector.load %arg8[%get3A_69, %get3A_70] : memref<132x64xf32, #tpu.memory_space<vmem>>, vector<128x64xf32>
    %dot_general3A_72 = arith.constant dense<0.000000e+00> : vector<128x64xf32>
    %dot_general3A_73 = tpu.matmul %reduce_max3A_62, %get3A_71, %dot_general3A_72 {dimension_numbers = #tpu.dot_dimension_numbers<[1], [0], [0], [1], [0, 0, 1, 1], [], []>, transpose_lhs_hint = false} : vector<128x128xf32>, vector<128x64xf32>, vector<128x64xf32> -> vector<128x64xf32>
    %get3A_74 = arith.constant 128 : index
    %get3A_75 = arith.constant 0 : index
    %get3A_76 = vector.load %arg8[%get3A_74, %get3A_75] : memref<132x64xf32, #tpu.memory_space<vmem>>, vector<4x64xf32>
    %dot_general3A_77 = arith.constant dense<0.000000e+00> : vector<128x64xf32>
    %dot_general3A_78 = tpu.matmul %concatenate3A, %get3A_76, %dot_general3A_77 {dimension_numbers = #tpu.dot_dimension_numbers<[1], [0], [0], [1], [0, 0, 1, 1], [], []>, transpose_lhs_hint = false} : vector<128x4xf32>, vector<4x64xf32>, vector<128x64xf32> -> vector<128x64xf32>
    %add3A_79 = arith.addf %dot_general3A_73, %dot_general3A_78 : vector<128x64xf32>
    %get3A_80 = arith.constant 0 : index
    %get3A_81 = arith.constant 0 : index
    %get3A_82 = vector.load %arg9[%get3A_80, %get3A_81] : memref<1x64xf32, #tpu.memory_space<vmem>>, vector<1x64xf32>
    %add3A_83 = vector.broadcast %get3A_82 : vector<1x64xf32> to vector<128x64xf32>
    %add3A_84 = arith.addf %add3A_79, %add3A_83 : vector<128x64xf32>
    %max3A_85 = arith.constant 0.000000e+00 : f32
    %max3A_86 = vector.broadcast %max3A_85 : f32 to vector<128x64xf32>
    %max3A_87 = arith.maximumf %add3A_84, %max3A_86 : vector<128x64xf32>
    %get3A_88 = arith.constant 0 : index
    %get3A_89 = arith.constant 0 : index
    %get3A_90 = vector.load %arg10[%get3A_88, %get3A_89] : memref<64x128xf32, #tpu.memory_space<vmem>>, vector<64x128xf32>
    %dot_general3A_91 = arith.constant dense<0.000000e+00> : vector<128x128xf32>
    %dot_general3A_92 = tpu.matmul %max3A_87, %get3A_90, %dot_general3A_91 {dimension_numbers = #tpu.dot_dimension_numbers<[1], [0], [0], [1], [0, 0, 1, 1], [], []>, transpose_lhs_hint = false} : vector<128x64xf32>, vector<64x128xf32>, vector<128x128xf32> -> vector<128x128xf32>
    %get3A_93 = arith.constant 0 : index
    %get3A_94 = arith.constant 0 : index
    %get3A_95 = vector.load %arg11[%get3A_93, %get3A_94] : memref<1x128xf32, #tpu.memory_space<vmem>>, vector<1x128xf32>
    %add3A_96 = vector.broadcast %get3A_95 : vector<1x128xf32> to vector<128x128xf32>
    %add3A_97 = arith.addf %dot_general3A_92, %add3A_96 : vector<128x128xf32>
    %max3A_98 = arith.constant 0.000000e+00 : f32
    %max3A_99 = vector.broadcast %max3A_98 : f32 to vector<128x128xf32>
    %max3A_100 = arith.maximumf %add3A_97, %max3A_99 : vector<128x128xf32>
    %get3A_101 = arith.constant 0 : index
    %get3A_102 = arith.constant 0 : index
    %get3A_103 = vector.load %arg12[%get3A_101, %get3A_102] : memref<128x64xf32, #tpu.memory_space<vmem>>, vector<128x64xf32>
    %dot_general3A_104 = arith.constant dense<0.000000e+00> : vector<128x64xf32>
    %dot_general3A_105 = tpu.matmul %max3A_100, %get3A_103, %dot_general3A_104 {dimension_numbers = #tpu.dot_dimension_numbers<[1], [0], [0], [1], [0, 0, 1, 1], [], []>, transpose_lhs_hint = false} : vector<128x128xf32>, vector<128x64xf32>, vector<128x64xf32> -> vector<128x64xf32>
    %get3A_106 = arith.constant 0 : index
    %get3A_107 = arith.constant 0 : index
    %get3A_108 = vector.load %arg13[%get3A_106, %get3A_107] : memref<1x64xf32, #tpu.memory_space<vmem>>, vector<1x64xf32>
    %add3A_109 = vector.broadcast %get3A_108 : vector<1x64xf32> to vector<128x64xf32>
    %add3A_110 = arith.addf %dot_general3A_105, %add3A_109 : vector<128x64xf32>
    %max3A_111 = arith.constant 0.000000e+00 : f32
    %max3A_112 = vector.broadcast %max3A_111 : f32 to vector<128x64xf32>
    %max3A_113 = arith.maximumf %add3A_110, %max3A_112 : vector<128x64xf32>
    %get3A_114 = arith.constant 0 : index
    %get3A_115 = arith.constant 0 : index
    %get3A_116 = vector.load %arg14[%get3A_114, %get3A_115] : memref<64x4xf32, #tpu.memory_space<vmem>>, vector<64x4xf32>
    %dot_general3A_117 = arith.constant dense<0.000000e+00> : vector<128x4xf32>
    %dot_general3A_118 = tpu.matmul %max3A_113, %get3A_116, %dot_general3A_117 {dimension_numbers = #tpu.dot_dimension_numbers<[1], [0], [0], [1], [0, 0, 1, 1], [], []>, transpose_lhs_hint = false} : vector<128x64xf32>, vector<64x4xf32>, vector<128x4xf32> -> vector<128x4xf32>
    %get3A_119 = arith.constant 0 : index
    %get3A_120 = arith.constant 0 : index
    %get3A_121 = vector.load %arg15[%get3A_119, %get3A_120] : memref<1x4xf32, #tpu.memory_space<vmem>>, vector<1x4xf32>
    %add3A_122 = vector.broadcast %get3A_121 : vector<1x4xf32> to vector<128x4xf32>
    %add3A_123 = arith.addf %dot_general3A_118, %add3A_122 : vector<128x4xf32>
    %neg3A = arith.constant 0.000000e+00 : f32
    %neg3A_124 = vector.broadcast %neg3A : f32 to vector<128x4xf32>
    %neg3A_125 = arith.subf %neg3A_124, %add3A_123 : vector<128x4xf32>
    %exp3A = math.exp %neg3A_125 : vector<128x4xf32>
    %add3A_126 = arith.constant 1.000000e+00 : f32
    %add3A_127 = vector.broadcast %add3A_126 : f32 to vector<128x4xf32>
    %add3A_128 = arith.addf %add3A_127, %exp3A : vector<128x4xf32>
    %div3A = arith.constant 2.000000e+00 : f32
    %div3A_129 = vector.broadcast %div3A : f32 to vector<128x4xf32>
    %div3A_130 = arith.divf %div3A_129, %add3A_128 : vector<128x4xf32>
    %add3A_131 = arith.constant 2.000000e-01 : f32
    %add3A_132 = vector.broadcast %add3A_131 : f32 to vector<128x4xf32>
    %add3A_133 = arith.addf %div3A_130, %add3A_132 : vector<128x4xf32>
    %slice3A_134 = vector.extract_strided_slice %add3A_133 {offsets = [0, 0], sizes = [128, 1], strides = [1, 1]} : vector<128x4xf32> to vector<128x1xf32>
    %slice3A_135 = vector.extract_strided_slice %concatenate3A {offsets = [0, 0], sizes = [128, 1], strides = [1, 1]} : vector<128x4xf32> to vector<128x1xf32>
    %mul3A_136 = arith.mulf %slice3A_134, %slice3A_135 : vector<128x1xf32>
    %slice3A_137 = vector.extract_strided_slice %add3A_133 {offsets = [0, 1], sizes = [128, 1], strides = [1, 1]} : vector<128x4xf32> to vector<128x1xf32>
    %slice3A_138 = vector.extract_strided_slice %concatenate3A {offsets = [0, 2], sizes = [128, 1], strides = [1, 1]} : vector<128x4xf32> to vector<128x1xf32>
    %mul3A_139 = arith.mulf %slice3A_137, %slice3A_138 : vector<128x1xf32>
    %add3A_140 = arith.addf %mul3A_136, %mul3A_139 : vector<128x1xf32>
    %neg3A_141 = arith.constant 0.000000e+00 : f32
    %neg3A_142 = vector.broadcast %neg3A_141 : f32 to vector<128x1xf32>
    %neg3A_143 = arith.subf %neg3A_142, %add3A_140 : vector<128x1xf32>
    %slice3A_144 = vector.extract_strided_slice %add3A_133 {offsets = [0, 2], sizes = [128, 1], strides = [1, 1]} : vector<128x4xf32> to vector<128x1xf32>
    %slice3A_145 = vector.extract_strided_slice %concatenate3A {offsets = [0, 1], sizes = [128, 1], strides = [1, 1]} : vector<128x4xf32> to vector<128x1xf32>
    %mul3A_146 = arith.mulf %slice3A_144, %slice3A_145 : vector<128x1xf32>
    %slice3A_147 = vector.extract_strided_slice %add3A_133 {offsets = [0, 3], sizes = [128, 1], strides = [1, 1]} : vector<128x4xf32> to vector<128x1xf32>
    %slice3A_148 = vector.extract_strided_slice %concatenate3A {offsets = [0, 3], sizes = [128, 1], strides = [1, 1]} : vector<128x4xf32> to vector<128x1xf32>
    %mul3A_149 = arith.mulf %slice3A_147, %slice3A_148 : vector<128x1xf32>
    %add3A_150 = arith.addf %mul3A_146, %mul3A_149 : vector<128x1xf32>
    %neg3A_151 = arith.constant 0.000000e+00 : f32
    %neg3A_152 = vector.broadcast %neg3A_151 : f32 to vector<128x1xf32>
    %neg3A_153 = arith.subf %neg3A_152, %add3A_150 : vector<128x1xf32>
    %concatenate3A_154 = tpu.concatenate %neg3A_143, %neg3A_153 in 1 : vector<128x1xf32>, vector<128x1xf32> -> vector<128x2xf32>
    %swap3A = arith.constant 0 : index
    %swap3A_155 = arith.constant 0 : index
    %swap3A_156 = vector.load %arg16[%swap3A, %swap3A_155] : memref<128x2xf32, #tpu.memory_space<vmem>>, vector<128x2xf32>
    tpu.vector_store %arg16[%swap3A, %swap3A_155], %concatenate3A_154 {strides = array<i32>} : memref<128x2xf32, #tpu.memory_space<vmem>>, vector<128x2xf32>,
    return
  }
  func.func @transform_0(%arg0: i32) -> (i32, i32) {
    %c0_i32 = arith.constant 0 : i32
    %c0_i32_0 = arith.constant 0 : i32
    return %arg0, %c0_i32 : i32, i32
  }
  func.func @transform_1(%arg0: i32) -> (i32, i32) {
    %c0_i32 = arith.constant 0 : i32
    %c0_i32_0 = arith.constant 0 : i32
    %c0_i32_1 = arith.constant 0 : i32
    return %c0_i32, %c0_i32_0 : i32, i32
  }
  func.func @transform_2(%arg0: i32) -> (i32, i32) {
    %c0_i32 = arith.constant 0 : i32
    %c0_i32_0 = arith.constant 0 : i32
    %c0_i32_1 = arith.constant 0 : i32
    return %c0_i32, %c0_i32_0 : i32, i32
  }
  func.func @transform_3(%arg0: i32) -> (i32, i32) {
    %c0_i32 = arith.constant 0 : i32
    %c0_i32_0 = arith.constant 0 : i32
    %c0_i32_1 = arith.constant 0 : i32
    return %c0_i32, %c0_i32_0 : i32, i32
  }
  func.func @transform_4(%arg0: i32) -> (i32, i32) {
    %c0_i32 = arith.constant 0 : i32
    %c0_i32_0 = arith.constant 0 : i32
    %c0_i32_1 = arith.constant 0 : i32
    return %c0_i32, %c0_i32_0 : i32, i32
  }
  func.func @transform_5(%arg0: i32) -> (i32, i32) {
    %c0_i32 = arith.constant 0 : i32
    %c0_i32_0 = arith.constant 0 : i32
    %c0_i32_1 = arith.constant 0 : i32
    return %c0_i32, %c0_i32_0 : i32, i32
  }
  func.func @transform_6(%arg0: i32) -> (i32, i32) {
    %c0_i32 = arith.constant 0 : i32
    %c0_i32_0 = arith.constant 0 : i32
    %c0_i32_1 = arith.constant 0 : i32
    return %c0_i32, %c0_i32_0 : i32, i32
  }
  func.func @transform_7(%arg0: i32) -> (i32, i32) {
    %c0_i32 = arith.constant 0 : i32
    %c0_i32_0 = arith.constant 0 : i32
    %c0_i32_1 = arith.constant 0 : i32
    return %c0_i32, %c0_i32_0 : i32, i32
  }
  func.func @transform_8(%arg0: i32) -> (i32, i32) {
    %c0_i32 = arith.constant 0 : i32
    %c0_i32_0 = arith.constant 0 : i32
    %c0_i32_1 = arith.constant 0 : i32
    return %c0_i32, %c0_i32_0 : i32, i32
  }
  func.func @transform_9(%arg0: i32) -> (i32, i32) {
    %c0_i32 = arith.constant 0 : i32
    %c0_i32_0 = arith.constant 0 : i32
    %c0_i32_1 = arith.constant 0 : i32
    return %c0_i32, %c0_i32_0 : i32, i32
  }
  func.func @transform_10(%arg0: i32) -> (i32, i32) {
    %c0_i32 = arith.constant 0 : i32
    %c0_i32_0 = arith.constant 0 : i32
    %c0_i32_1 = arith.constant 0 : i32
    return %c0_i32, %c0_i32_0 : i32, i32
  }
  func.func @transform_11(%arg0: i32) -> (i32, i32) {
    %c0_i32 = arith.constant 0 : i32
    %c0_i32_0 = arith.constant 0 : i32
    %c0_i32_1 = arith.constant 0 : i32
    return %c0_i32, %c0_i32_0 : i32, i32
  }
  func.func @transform_12(%arg0: i32) -> (i32, i32) {
    %c0_i32 = arith.constant 0 : i32
    %c0_i32_0 = arith.constant 0 : i32
    %c0_i32_1 = arith.constant 0 : i32
    return %c0_i32, %c0_i32_0 : i32, i32
  }
  func.func @transform_13(%arg0: i32) -> (i32, i32) {
    %c0_i32 = arith.constant 0 : i32
    %c0_i32_0 = arith.constant 0 : i32
    %c0_i32_1 = arith.constant 0 : i32
    return %c0_i32, %c0_i32_0 : i32, i32
  }
  func.func @transform_14(%arg0: i32) -> (i32, i32) {
    %c0_i32 = arith.constant 0 : i32
    %c0_i32_0 = arith.constant 0 : i32
    %c0_i32_1 = arith.constant 0 : i32
    return %c0_i32, %c0_i32_0 : i32, i32
  }
  func.func @transform_15(%arg0: i32) -> (i32, i32) {
    %c0_i32 = arith.constant 0 : i32
    %c0_i32_0 = arith.constant 0 : i32
    return %arg0, %c0_i32 : i32, i32
  }
}

</mosaic_0001>

<sc_bundles>
// kernel: kernel.5.cloned.1.call-start
scs
__scs_entry_jumppad:
0x0: {  	(pc) =	sbr.rel $0x88, $3  }
0x1: {  	(tag) =	ssettag $0x0;
	lr =	simm.s32 $0x1  }
0x2: {  	[smem:$0x3F93] =	sst lr;
	_ =	strace $0xD0000000  }
0x3: {  	_ = 	snop  }
0x4: {  	_ = 	snop  }
0x5: {  	_ = 	snop  }
0x6: {  	_ = 	snop  }
0x7: {  	_ = 	snop  }
__scs_overlays_trampoline_lowered:
0x8: {  	[smem:$0x3FA2] =	sst s0  }
0x9: {  	[smem:$0x3FA3] =	sst s1  }
0xa: {  	[smem:$0x3FA4] =	sst s2  }
0xb: {  	[smem:$0x3FA5] =	sst s3  }
0xc: {  	[smem:$0x3FA6] =	sst s4  }
0xd: {  	[smem:$0x3FA7] =	sst s5  }
0xe: {  	[smem:$0x3FA8] =	sst s6  }
0xf: {  	[smem:$0x3FA9] =	sst s7  }
0x10: {  	[smem:$0x3FAA] =	sst s8  }
0x11: {  	[smem:$0x3FAB] =	sst s9;
	s0 =	simm.s32 @!p0 $0x0  }
0x12: {  	s1 =	sld [smem:$0x3F91];
	s0 =	simm.s32 @p0 $0x1  }
0x13: {  	[smem:$0x3FAC] =	sst s0;
	s0 =	simm.s32 @!p1 $0x0  }
0x14: {  	s2 =	sld [smem:$0x3F90];
	s0 =	simm.s32 @p1 $0x1  }
0x15: {  	[smem:$0x3FAD] =	sst s0;
	s0 =	simm.s32 @!p2 $0x0  }
0x16: {  	s3 =	sld [smem:$0x3FDB];
	s0 =	simm.s32 @p2 $0x1  }
0x17: {  	s4 =	simm.s32 $0x1BF5;
	[smem:$0x3FAF] =	sst s0  }
0x18: {  	s0 =	sld [smem:$0x3F92];
	_ =	swait.ge [sflag:s4], $0x0  }
0x19: {  	s7 =	sld [smem:$0x3F93]  }
0x1a: {  	s8 =	sadd.s32 $0xFFFFE003, lr  }
0x1b: {  	s9 =	sadd.s32 $0xFFFFFEF7, lr;
	s5 =	simm.s32 $0xFFFFFFFF;
	p2 =	slt.u32 s8, $0xFFFFF086  }
0x1c: {  	p1 =	slt.u32 s9, $0xF7A;
	s5 =	simm.s32 @!p2 $0x0  }
0x1d: {  	s5 =	simm.s32 @p1 $0x1;
	p0 =	seq.s32 s7, s2  }
0x1e: {  	s7 =	smul.u32 @!p0 $0xF7A, s2;
	p2 =	seq.s32 @!p0 s5, $0x0  }
0x1f: {  	s9 =	smul.u32 $0xF7A, s1;
	s8 =	simm.s32 @!p0 $0x1BF5;
	p2 =	por !p2, p0  }
0x20: {  	[sflag:s8] =	ssyncset.s32 @!p0 $0xFFFFF086;
	s6 =	sadd.s32 @!p0 s3, s7;
	s7 =	simm.s32 @!p0 $0x108  }
0x21: {  	s3 =	sadd.s32 s3, s9;
	s6 =	sadd.s32 @!p0 $0x88, s6;
	s7 =	simm.s32 @p2 $0x1082  }
0x22: {  	[simem:s7], [sflag:s8] =	dma.local @!p0 [hbm:s6], $0xF7A  }
0x23: {  	s9 =	sor.u32 $0xD0000000, s2;
	s6 =	simm.s32 $0x108;
	_ =	swait.ge @!p0 [sflag:s8], $0x0  }
0x24: {  	s3 =	sadd.s32 $0x88, s3;
	s6 =	simm.s32 @!p1 $0x1082;
	[sflag:s4] =	ssyncset.s32 $0xFFFFF086  }
0x25: {  	[simem:s6], [sflag:s4] =	dma.local [hbm:s3], $0xF7A  }
0x26: {  	[smem:$0x3F93] =	sst s1;
	(tag) =	ssettag s2;
	_ =	strace s9  }
0x27: {  	s1 =	sld [smem:$0x3FA3]  }
0x28: {  	s2 =	sld [smem:$0x3FA4]  }
0x29: {  	s4 =	sld [smem:$0x3FA6]  }
0x2a: {  	p0 =	seq.s32 s5, $0x0;
	s5 =	sld [smem:$0x3FA7]  }
0x2b: {  	s6 =	sld [smem:$0x3FA8]  }
0x2c: {  	s7 =	sld [smem:$0x3FA9]  }
0x2d: {  	s3 =	simm.s32 $0x108;
	s8 =	sld [smem:$0x3FAA]  }
0x2e: {  	s3 =	simm.s32 @!p0 $0x1082;
	s9 =	sld [smem:$0x3FAB]  }
0x2f: {  	lr =	sadd.s32 s0, s3;
	s0 =	sld [smem:$0x3FA2]  }
0x30: {  	s3 =	sld [smem:$0x3FA5]  }
0x31: {  	[smem:$0x3FAE] =	sst s10  }
0x32: {  	s10 =	sld [smem:$0x3FAC];
	_ =	sdelay $0x3  }
0x33: {  	p0 =	seq.s32 s10, $0x1;
	s10 =	sld [smem:$0x3FAE];
	_ =	sdelay $0x3  }
0x34: {  	[smem:$0x3FAE] =	sst s10  }
0x35: {  	s10 =	sld [smem:$0x3FAD];
	_ =	sdelay $0x3  }
0x36: {  	p1 =	seq.s32 s10, $0x1;
	s10 =	sld [smem:$0x3FAE];
	_ =	sdelay $0x3  }
0x37: {  	[smem:$0x3FAE] =	sst s10  }
0x38: {  	s10 =	sld [smem:$0x3FAF]  }
0x39: {  	_ = 	snop;
	(pc) =	sbr.ind lr, $3  }
0x3a: {  	_ = 	snop  }
0x3b: {  	_ = 	snop  }
0x3c: {  	p2 =	seq.s32 s10, $0x1;
	s10 =	sld [smem:$0x3FAE]  }
0x3d: {  	_ =	shalt  }
0x3e: {  	_ =	shalt  }
0x3f: {  	_ =	shalt  }
0x40: {  	_ =	shalt  }
0x41: {  	_ =	shalt  }
0x42: {  	_ =	shalt  }
0x43: {  	_ =	shalt  }
0x44: {  	_ =	shalt  }
0x45: {  	_ =	shalt  }
0x46: {  	_ =	shalt  }
0x47: {  	_ =	shalt  }
0x48: {  	_ =	shalt  }
0x49: {  	_ =	shalt  }
0x4a: {  	_ =	shalt  }
0x4b: {  	_ =	shalt  }
0x4c: {  	_ =	shalt  }
0x4d: {  	_ =	shalt  }
0x4e: {  	_ =	shalt  }
0x4f: {  	_ =	shalt  }
0x50: {  	_ =	shalt  }
0x51: {  	_ =	shalt  }
0x52: {  	_ =	shalt  }
0x53: {  	_ =	shalt  }
0x54: {  	_ =	shalt  }
0x55: {  	_ =	shalt  }
0x56: {  	_ =	shalt  }
0x57: {  	_ =	shalt  }
0x58: {  	_ =	shalt  }
0x59: {  	_ =	shalt  }
0x5a: {  	_ =	shalt  }
0x5b: {  	_ =	shalt  }
0x5c: {  	_ =	shalt  }
0x5d: {  	_ =	shalt  }
0x5e: {  	_ =	shalt  }
0x5f: {  	_ =	shalt  }
0x60: {  	_ =	shalt  }
0x61: {  	_ =	shalt  }
0x62: {  	_ =	shalt  }
0x63: {  	_ =	shalt  }
0x64: {  	_ =	shalt  }
0x65: {  	_ =	shalt  }
0x66: {  	_ =	shalt  }
0x67: {  	_ =	shalt  }
0x68: {  	_ =	shalt  }
0x69: {  	_ =	shalt  }
0x6a: {  	_ =	shalt  }
0x6b: {  	_ =	shalt  }
0x6c: {  	_ =	shalt  }
0x6d: {  	_ =	shalt  }
0x6e: {  	_ =	shalt  }
0x6f: {  	_ =	shalt  }
0x70: {  	_ =	shalt  }
0x71: {  	_ =	shalt  }
0x72: {  	_ =	shalt  }
0x73: {  	_ =	shalt  }
0x74: {  	_ =	shalt  }
0x75: {  	_ =	shalt  }
0x76: {  	_ =	shalt  }
0x77: {  	_ =	shalt  }
0x78: {  	_ =	shalt  }
0x79: {  	_ =	shalt  }
0x7a: {  	_ =	shalt  }
0x7b: {  	_ =	shalt  }
0x7c: {  	_ =	shalt  }
0x7d: {  	_ =	shalt  }
0x7e: {  	_ =	shalt  }
0x7f: {  	_ =	shalt  }
0x80: {  	_ =	shalt  }
0x81: {  	_ =	shalt  }
0x82: {  	_ =	shalt  }
0x83: {  	_ =	shalt  }
0x84: {  	_ =	shalt  }
0x85: {  	_ =	shalt  }
0x86: {  	_ =	shalt  }
0x87: {  	_ =	shalt  }
.Lfunc_end0:
.L_simem_size_0:
called_computation_lowered:
.L_overlay_start_0:
0x88: {  	s2 =	sld [smem:$0x3FD9]  }
0x89: {  	s3 =	sld [smem:$0x3FFE];
	_ =	sdelay $0x1  }
0x8a: {  	s1 =	srdreg.scid  }
0x8b: {  	s0 =	sand.u32 $0x1, s1  }
0x8c: {  	s16 =	sshll.u32 s0, $0xA;
	s2 =	sadd.s32 s3, s2  }
0x8d: {  	s2 =	sadd.s32 s2, s16  }
0x8e: {  	[smem:$0x3FBA] =	sst s2  }
0x8f: {  	_ = 	snop  }
0x90: {  	(tm) =	ssettm $0x1  }
0x91: {  	s17 =	sld [smem:$0x3FFB];
	_ =	sdelay $0x3  }
0x92: {  	_ =	strace s17  }
0x93: {  	s2 =	sld [smem:$0x3FFC];
	_ =	sdelay $0x3  }
0x94: {  	_ =	strace s2  }
0x95: {  	s2 =	sld [smem:$0x3FFD];
	_ =	sdelay $0x3  }
0x96: {  	_ =	strace s2  }
0x97: {  	_ =	strace $0x8FFFFFFF  }
0x98: {  	s18 =	sld [smem:$0x3FDB];
	_ =	sdelay $0x1  }
0x99: {  	s19 =	simm.s32 $_scs_section_size  }
0x9a: {  	s4 =	simm.s32 $_size__tile_overlayer_lowered;
	s5 =	simm.s32 $_tile_overlayer_lowered  }
0x9b: {  	s22 =	simm.s32 $0x1BFF;
	s21 =	sshll.u32 s5, $0x1;
	s2 =	sadd.s32 s19, s18  }
0x9c: {  	s6 =	simm.s32 $0x0;
	s20 =	sshll.u32 s4, $0x1;
	s4 =	sadd.s32 s21, s2  }
0x9d: {  	[timem:s6], [sflag:s22] =	dma.local [hbm:s4], s20  }
0x9e: {  	_ =	swait.ge [sflag:s22], s20  }
0x9f: {  	s3 =	ssub.s32 $0x0, s20;
	[sflag:s22] =	ssyncset.done $0x0  }
0xa0: {  	[sflag:s22] =	ssyncadd.s32 s3;
	_ =	sdelay $0x1  }
0xa1: {  	s23 =	simm.s32 $0x1B8B  }
0xa2: {  	_ =	swait.ge [sflag:s23], $0x1  }
0xa3: {  	[sflag:s23] =	ssyncset.done $0x0  }
0xa4: {  	s25 =	simm.s32 $0x1B8E;
	s24 =	sld [smem:$0x3FFE];
	[sflag:s23] =	ssyncadd.s32 $0xFFFFFFFF  }
0xa5: {  	s26 =	simm.s32 $execute0_lowered;
	[smem:$0x3FD2] =	sst s25  }
0xa6: {  	s4 =	sshll.u32 s26, $0x1;
	_ =	strace $0x80000046;
	[dreg:$0x1] =	wrdreg $0xFFFFFFFF  }
0xa7: {  	s28 =	simm.s32 $_size_execute0_lowered;
	s2 =	sadd.s32 s2, s4;
	[dreg:$0x0] =	wrdreg $0x0  }
0xa8: {  	s4 =	sshll.u32 s28, $0x1;
	[dreg:$0x2] =	wrdreg s2  }
0xa9: {  	[dreg:$0x3] =	wrdreg s4  }
0xaa: {  	[dreg:$0x4] =	wrdreg $0xC0  }
0xab: {  	_ =	task [dreg:s6], $0x5FFFF  }
0xac: {  	[dreg:$0x1] =	wrdreg $0xFFFFFFFF  }
0xad: {  	[dreg:$0x0] =	wrdreg $0x60  }
0xae: {  	[dreg:$0x2] =	wrdreg s24  }
0xaf: {  	[dreg:$0x3] =	wrdreg $0x9  }
0xb0: {  	_ =	task.clear_ibuf [dreg:s6], $0x4FFFF;
	_ =	strace $0x90000046  }
0xb1: {  	s29 =	simm.s32 $0x9;
	_ =	strace $0x80000048  }
0xb2: {  	_ =	swait.ge [sflag:s29], $0x1  }
0xb3: {  	[sflag:s29] =	ssyncadd.s32 $0xFFFFFFFF  }
0xb4: {  	_ =	strace $0x90000048  }
0xb5: {  	_ =	sfence  }
0xb6: {  	s30 =	sld [smem:$0x0];
	_ =	sdelay $0x2  }
0xb7: {  	s31 =	sshll.u32 s1, $0xD;
	s1 =	sshrl.u32 s1, $0x2  }
0xb8: {  	s3 =	sand.u32 $0x4000, s31;
	s1 =	sadd.s32 s1, s30  }
0xb9: {  	s0 =	sor.u32 s3, s0;
	s1 =	sshll.u32 s1, $0x11  }
0xba: {  	s0 =	sor.u32 s1, s0  }
0xbb: {  	s0 =	sadd.s32 $0x8F2B, s0  }
0xbc: {  	[sflag:s0] =	ssyncadd.remote.s32 $0x1  }
0xbd: {  	_ =	sfence.sel $0xFFFF  }
0xbe: {  	[dreg:$0x0] =	wrdreg $0xFFFFFFFF;
	(pc) =	sbr.abs _section_cstart, $3  }
0xbf: {  	[dreg:$0x1] =	wrdreg $0xFFFFFFFF  }
0xc0: {  	_ =	task.clear_ibuf [dreg:s6], $0x2FFFF;
	_ =	strace $0x9FFFFFFF  }
0xc1: {  	(tm) =	ssettm $0x7FFFFFFF  }
tec
execute0_lowered:
.L_overlay_start_1:
0x0: {  	(tag) =	ssettag $0x1  }
0x1: {  	s4 =	rddreg [dreg:$0x0]  }
0x2: {  	s0 =	rddreg [dreg:$0x1]  }
0x3: {  	s3 =	srdreg.scid;
	s2 =	simm.s32 $0x0;
	s1 =	stileid.u32  }
0x4: {  	s10 =	simm.s32 $0x1;
	s11 =	simm.s32 $0x0;
	s5 =	sand.u32 $0x1, s3  }
0x5: {  	[smem:$0x7FF] =	sst s2;
	s29 =	sshll.u32 s1, $0xD;
	s3 =	sadd.s32 $0x5E00, s4  }
0x6: {  	s8 =	sshll.u32 s1, $0x11;
	s6 =	sshll.u32 s5, $0xC;
	_ =	strace $0x80000047  }
0x7: {  	s7 =	ssub.s32 $0x2, s5;
	s8 =	sadd.s32 s8, s4;
	s30 =	sshll.u32 s5, $0x10  }
0x8: {  	s6 =	sor.u32 s6, s29;
	s9 =	sshrl.u32 s7, $0x1;
	s31 =	sadd.s32 s30, s8  }
0x9: {  	s8 =	simm.s32 $0x80;
	s6 =	sshrl.u32 s6, $0x3;
	s7 =	ssub.s32 s7, s9  }
0xa: {  	s9 =	simm.s32 $0x1000;
	s6 =	sadd.s32 s6, s4;
	s5 =	smax.u32 s7, $0x1  }
0xb: {  	s7 =	simm.s32 $0x2;
	s4 =	sadd.s32 $0x1E00, s6;
	s6 =	sadd.s32 $0xDE00, s31  }
.LBB2_1:
0xc: {  	[tilespmem:s2], [sflag:$0x2] =	stream.linear.gather [hbm4b:s4+s2], $0x1000, $0x38;
	[tilespmem:$0x5000] =	vst v63  }
0xd: {  	_ =	swait.ge [sflag:s7], $0x1000  }
0xe: {  	[sflag:s7] =	ssyncset.done $0x0  }
0xf: {  	s12 =	simm.s32 $0x0;
	[sflag:s7] =	ssyncadd.s32 $0xFFFFF000  }
0x10: {  	[tilespmem:s9], [sflag:$0x1] =	stream.indirect.gather [hbm4b:s3+s8], $0x80, s12, s8, $0xb8;
	[tilespmem:$0x5000] =	vst v63  }
0x11: {  	_ =	swait.ge [sflag:s10], $0x4000  }
0x12: {  	[sflag:s10] =	ssyncset.done $0x0  }
0x13: {  	[sflag:s10] =	ssyncadd.s32 $0xFFFFC000  }
0x14: {  	[hbm4b:s6+s2] =	stream.linear.scatter [tilespmem:s9], [sflag:$0x2], $0x4000, $0x38;
	[tilespmem:$0x5000] =	vst v63  }
0x15: {  	s13 =	simm.s32 $0x200;
	_ =	swait.ge [sflag:s7], $0x4000  }
0x16: {  	s14 =	simm.s32 $0x400;
	s12 =	sadd.s32 $0x800, s6;
	[sflag:s7] =	ssyncset.done $0x0  }
.LBB2_2:
0x17: {  	s15 =	sshra.s32 s13, $0x2  }
0x18: {  	[sflag:s7] =	ssyncadd.s32 $0xFFFFC000;
	s13 =	smov.u32 s14;
	s16 =	sadd.s32 $0x200, s14  }
0x19: {  	[tilespmem:s9], [sflag:$0x1] =	stream.indirect.gather [hbm4b:s3+s8], $0x80, s15, s8, $0xb8;
	[tilespmem:$0x5000] =	vst v63  }
0x1a: {  	p0 =	sne.s32 s14, $0x3E00;
	_ =	swait.ge [sflag:s10], $0x4000  }
.Ltmp0:
0x1b: {  	[sflag:s10] =	ssyncset.done $0x0;
	(pc) =	sbr.rel @p0 .LBB2_2-.Ltmp0, $4  }
0x1c: {  	[sflag:s10] =	ssyncadd.s32 $0xFFFFC000  }
0x1d: {  	[hbm4b:s12+s2] =	stream.linear.scatter [tilespmem:s9], [sflag:$0x2], $0x4000, $0x38;
	[tilespmem:$0x5000] =	vst v63  }
0x1e: {  	_ =	swait.ge [sflag:s7], $0x4000  }
0x1f: {  	s14 =	smov.u32 s16;
	s12 =	sadd.s32 $0x800, s12;
	[sflag:s7] =	ssyncset.done $0x0  }
0x20: {  	s13 =	sshra.s32 s13, $0x2;
	[sflag:s7] =	ssyncadd.s32 $0xFFFFC000  }
0x21: {  	[tilespmem:s9], [sflag:$0x1] =	stream.indirect.gather [hbm4b:s3+s8], $0x80, s13, s8, $0xb8;
	[tilespmem:$0x5000] =	vst v63  }
0x22: {  	s11 =	sadd.s32 $0x1, s11;
	_ =	swait.ge [sflag:s10], $0x4000  }
0x23: {  	p0 =	sne.s32 s11, s5;
	[sflag:s10] =	ssyncset.done $0x0  }
.Ltmp1:
0x24: {  	[sflag:s10] =	ssyncadd.s32 $0xFFFFC000;
	(pc) =	sbr.rel @p0 .LBB2_1-.Ltmp1, $4  }
0x25: {  	[hbm4b:s12+s2] =	stream.linear.scatter [tilespmem:s9], [sflag:$0x2], $0x4000, $0x38;
	[tilespmem:$0x5000] =	vst v63  }
0x26: {  	_ =	swait.ge [sflag:s7], $0x4000  }
0x27: {  	[sflag:s7] =	ssyncset.done $0x0  }
0x28: {  	[sflag:s7] =	ssyncadd.s32 $0xFFFFC000  }
0x29: {  	_ =	sfence.sel $0x180000  }
0x2a: {  	[bflag:$0x0] =	sbarrier.arrive $0xFFFF  }
0x2b: {  	p0 =	sne.s32 s1, $0x0;
	_ =	strace $0x90000047  }
0x2c: {  	s0 =	sadd.s32 @!p0 $0x100000, s0;
	[bflag:$0x2] =	sbarrier.arrive $0xFFFF  }
0x2d: {  	[sflag:s0] =	ssyncadd.tile.s32 @!p0 $0x1;
	_ =	shalt  }
.Lfunc_end2:
_tile_overlayer_lowered:
.L_overlay_start_2:
0x2e: {  	(tag) =	ssettag $0x2  }
0x2f: {  	s0 =	rddreg [dreg:$0x0];
	s2 =	stileid.u32  }
0x30: {  	s1 =	rddreg [dreg:$0x1];
	p0 =	sne.s32 s2, $0x0  }
0x31: {  	s3 =	rddreg [dreg:$0x2];
	[bflag:$0x3] =	sbarrier.arrive $0xFFFF;
	s2 =	simm.s32 @!p0 $0x1C02  }
0x32: {  	[timem:s3], [sflag:s2] =	dma.local @!p0 [hbm:s0], s1  }
0x33: {  	s0 =	simm.s32 @!p0 $0x2  }
0x34: {  	_ =	swait.ge @!p0 [sflag:s0], s1  }
0x35: {  	s1 =	ssub.s32 @!p0 $0x0, s1;
	[sflag:s0] =	ssyncset.done @!p0 $0x0  }
0x36: {  	[sflag:s0] =	ssyncadd.s32 @!p0 s1  }
0x37: {  	[bflag:$0x3] =	sbarrier.arrive $0xFFFF  }
0x38: {  	_ =	shalt  }

</sc_bundles>
